<compile_context>
chip_gen: v7x
topology: tpu7x:2x2x1
jax: 0.10.2.dev20260603
libtpu: 0.0.44.dev20260713+nightly
codegen_flags: <defaults>
</compile_context>

<pallas_src>
import functools

import jax
import jax.numpy as jnp
from jax import lax
from jax.experimental import pallas as pl
from jax.experimental.pallas import tpu as pltpu
from jax.experimental.pallas import tpu_sc as plsc

_D = 64
_L = 16
_HIST = 200
_RPT = 8
_NHT = 13
_NBUF = 4
_W = 128

_mesh = plsc.VectorSubcoreMesh(core_axis_name="c", subcore_axis_name="s")


@functools.partial(
    pl.kernel,
    out_type=jax.ShapeDtypeStruct((32, _D), jnp.float32),
    mesh=_mesh,
    scratch_types=[
        pltpu.VMEM((_L,), jnp.int32),
        pltpu.VMEM((2 * _L,), jnp.int32),
        pltpu.VMEM((2 * _L,), jnp.int32),
        pltpu.VMEM((_NBUF, _D, _W), jnp.float32),
        pltpu.VMEM((_D,), jnp.float32),
        pltpu.SemaphoreType.DMA,
    ],
    compiler_params=pltpu.CompilerParams(needs_layout_passes=False),
)
def _sc_stage_a(pidx_hbm, utabT_hbm, itabT_hbm, out_hbm,
                win_v, cbuf, vbuf, blk_r, part_v, sem):
    cid = lax.axis_index("c")
    sid = lax.axis_index("s")
    on0 = cid == 0
    lane = lax.iota(jnp.int32, _L)
    bufs = [blk_r.at[b] for b in range(_NBUF)]

    def extract(buf, csplat):
        return [plsc.load_gather(buf, [lane + _L * j, csplat])
                for j in range(_D // _L)]

    wid = cid * _NHT + sid
    @pl.when(sid < _NHT)
    def _():
        base = wid * _RPT
        pltpu.sync_copy(pidx_hbm.at[pl.ds(base, _L)], win_v)
        pltpu.sync_copy(pidx_hbm.at[pl.ds(256 + base, _L)],
                        cbuf.at[pl.ds(_L, _L)])
        pltpu.sync_copy(pidx_hbm.at[pl.ds(512 + base, _L)],
                        vbuf.at[pl.ds(_L, _L)])
        wvec = win_v[...]
        cps = []
        for b in range(_NBUF - 1):
            cps.append(pltpu.async_copy(
                itabT_hbm.at[:, pl.ds(pl.multiple_of(wvec[b], _W), _W)],
                bufs[b], sem))
        acc = [jnp.zeros((_L,), jnp.float32) for _ in range(_D // _L)]
        for i in range(_RPT):
            nxt = i + _NBUF - 1
            if nxt < _RPT:
                cps.append(pltpu.async_copy(
                    itabT_hbm.at[:, pl.ds(pl.multiple_of(wvec[nxt], _W), _W)],
                    bufs[nxt % _NBUF], sem))
            cps[i].wait()
            csplat = plsc.load_gather(cbuf, [jnp.full((_L,), _L + i, jnp.int32)])
            padspl = plsc.load_gather(vbuf, [jnp.full((_L,), _L + i, jnp.int32)])
            zero = jnp.zeros((_L,), jnp.float32)
            for j, v in enumerate(extract(bufs[i % _NBUF], csplat)):
                acc[j] = acc[j] + jnp.where(padspl == 0, v, zero)
        for j in range(_D // _L):
            part_v[pl.ds(_L * j, _L)] = acc[j]
        pltpu.sync_copy(part_v, out_hbm.at[wid])

    @pl.when(jnp.logical_and(on0, sid >= _NHT))
    def _():
        pltpu.sync_copy(pidx_hbm.at[pl.ds(192, _L)], win_v)
        pltpu.sync_copy(pidx_hbm.at[pl.ds(256 + 192, _L)],
                        cbuf.at[pl.ds(_L, _L)])
        wvec = win_v[...]
        loc = jnp.where(sid == _NHT, 10, jnp.where(sid == _NHT + 1, 8, 9))
        locv = jnp.full((_L,), 0, jnp.int32) + loc
        wbuf = cbuf
        wbuf[pl.ds(0, _L)] = wvec
        wsel = plsc.load_gather(wbuf, [locv])[0]
        csplat = plsc.load_gather(cbuf, [jnp.full((_L,), _L, jnp.int32) + loc])

        @pl.when(sid == _NHT)
        def _():
            pltpu.sync_copy(
                utabT_hbm.at[:, pl.ds(pl.multiple_of(wsel, _W), _W)], bufs[0])

        @pl.when(sid > _NHT)
        def _():
            pltpu.sync_copy(
                itabT_hbm.at[:, pl.ds(pl.multiple_of(wsel, _W), _W)], bufs[0])

        for j, v in enumerate(extract(bufs[0], csplat)):
            part_v[pl.ds(_L * j, _L)] = v

        @pl.when(sid == _NHT)
        def _():
            pltpu.sync_copy(part_v, out_hbm.at[26])

        @pl.when(sid == _NHT + 1)
        def _():
            pltpu.sync_copy(part_v, out_hbm.at[27])

        @pl.when(sid == _NHT + 2)
        def _():
            pltpu.sync_copy(part_v, out_hbm.at[28])


def _tc_stage_b_body(x_ref, o_ref):
    x = x_ref[...]
    h = jnp.sum(x[0:2 * _NHT, :], axis=0)
    s = x[26, :] + h / jnp.float32(_HIST)
    ps = jnp.sum(s * x[27, :])
    ns = jnp.sum(s * x[28, :])
    r = jax.lax.broadcasted_iota(jnp.int32, (8, 128), 0)
    c = jax.lax.broadcasted_iota(jnp.int32, (8, 128), 1)
    o_ref[...] = jnp.where((r == 0) & (c == 0), ps,
                           jnp.where((r == 0) & (c == 1), ns,
                                     jnp.float32(0.0)))


_tc_stage_b = pl.pallas_call(
    _tc_stage_b_body,
    out_shape=jax.ShapeDtypeStruct((8, 128), jnp.float32),
)


def kernel(user_id, pos_item_id, neg_item_id, item_history, user_table,
           item_table):
    ids = jnp.concatenate([
        item_history.astype(jnp.int32),
        jnp.asarray(pos_item_id, jnp.int32)[None],
        jnp.asarray(neg_item_id, jnp.int32)[None],
        jnp.full((2,), jnp.asarray(user_id, jnp.int32)),
        jnp.zeros((52,), jnp.int32),
    ])
    win = (ids >> 7) << 7
    col = ids & (_W - 1)
    padf = (jnp.arange(256, dtype=jnp.int32) >= 200).astype(jnp.int32)
    pidx = jnp.concatenate([win, col, padf])
    utabT = user_table.T
    itabT = item_table.T
    staged = _sc_stage_a(pidx, utabT, itabT)
    out = _tc_stage_b(staged)
    return (out[0, 0], out[0, 1])

# --- scband reference (transcript-rebuilt; emitter-appended) ---
"""Pipeline reference for scband-bprwith-history-47553877901610 (READ-ONLY COPY).

The authoritative reference and input builder live on the scoring server;
editing this copy changes nothing except your own understanding.
"""

import jax, jax.numpy as jnp
import numpy as np

NUM_USERS = 100000
NUM_ITEMS = 1000000
EMBED_DIM = 64
HIST_LEN = 200


def setup_inputs(seed: int = 0) -> dict:
    key = jax.random.key(seed)
    k1, k2, k3, k4, k5, k6 = jax.random.split(key, 6)
    user_id = jax.random.randint(k1, (), 0, NUM_USERS)
    pos_item_id = jax.random.randint(k2, (), 0, NUM_ITEMS)
    neg_item_id = jax.random.randint(k3, (), 0, NUM_ITEMS)
    item_history = jax.random.randint(k4, (HIST_LEN,), 0, NUM_ITEMS)
    user_table = jax.random.normal(k5, (NUM_USERS, EMBED_DIM), dtype=jnp.float32) * 0.01
    item_table = jax.random.normal(k6, (NUM_ITEMS, EMBED_DIM), dtype=jnp.float32) * 0.01
    return {
        "user_id": user_id,
        "pos_item_id": pos_item_id,
        "neg_item_id": neg_item_id,
        "item_history": item_history,
        "user_table": user_table,
        "item_table": item_table,
    }


def reference(user_id, pos_item_id, neg_item_id, item_history, user_table, item_table):
    # Embedding gathers (SparseCore-friendly)
    user_embed = jnp.take(user_table, user_id, axis=0)           # [D]
    pos_item_embed = jnp.take(item_table, pos_item_id, axis=0)   # [D]
    neg_item_embed = jnp.take(item_table, neg_item_id, axis=0)   # [D]
    history_embed = jnp.mean(jnp.take(item_table, item_history, axis=0), axis=0)  # [D]
    # user feature = concat(user, mean-history) -> [2D]
    user_feature = jnp.concatenate([user_embed, history_embed], axis=0)
    # Item feature lifted to [2D] by tiling (equivalent to dot(user+hist, item));
    # the original torch code dots a [2D] vector with a [D] vector, which is a
    # shape bug -- this is the minimal faithful resolution.
    pos_feature = jnp.concatenate([pos_item_embed, pos_item_embed], axis=0)
    neg_feature = jnp.concatenate([neg_item_embed, neg_item_embed], axis=0)
    pos_score = jnp.dot(user_feature, pos_feature)
    neg_score = jnp.dot(user_feature, neg_feature)
    return (pos_score, neg_score)

if __name__ == "__main__":
    import jax
    _d = setup_inputs()
    print(jax.jit(kernel)(*tuple(_d.values())))

</pallas_src>

<mosaic_0001>
#map = affine_map<(d0, d1) -> (0)>
#map1 = affine_map<(d0, d1) -> (0, 0)>
module attributes {stable_mosaic.version = 14 : i64} {
  func.func @_sc_stage_a(%arg0: i32, %arg1: i32, %arg2: memref<768xi32, #tpu.memory_space<hbm>>, %arg3: memref<64x100000xf32, #tpu.memory_space<hbm>>, %arg4: memref<64x1000000xf32, #tpu.memory_space<hbm>>, %arg5: memref<32x64xf32, #tpu.memory_space<hbm>>, %arg6: memref<16xi32, #tpu.memory_space<vmem>>, %arg7: memref<32xi32, #tpu.memory_space<vmem>>, %arg8: memref<32xi32, #tpu.memory_space<vmem>>, %arg9: memref<4x64x128xf32, #tpu.memory_space<vmem>>, %arg10: memref<64xf32, #tpu.memory_space<vmem>>, %arg11: memref<!tpu.dma_semaphore, #tpu.memory_space<semaphore_mem>>) attributes {dimension_semantics = [#tpu.dimension_semantics<core_parallel>, #tpu.dimension_semantics<subcore_parallel>], iteration_bounds = array<i64: 2, 16>, scalar_prefetch = 0 : i64, scratch_operands = 6 : i64, tpu.core_type = #tpu.core_type<sc_vector_subcore>, window_params = [{transform_indices = #map}, {transform_indices = #map1}, {transform_indices = #map1}, {transform_indices = #map1}]} {
    %eq3A = arith.constant 0 : i32
    %eq3A_0 = arith.cmpi eq, %arg0, %eq3A : i32
    %iota3A = tpu.iota {dimensions = array<i32: 0>} : vector<16xi32>
    %mul3A = arith.constant 13 : i32
    %mul3A_1 = arith.muli %arg0, %mul3A : i32
    %add3A = arith.addi %mul3A_1, %arg1 : i32
    %lt3A = arith.constant 13 : i32
    %lt3A_2 = arith.cmpi slt, %arg1, %lt3A : i32
    %convert_element_type3A = arith.extui %lt3A_2 : i1 to i32
    %cond3A = arith.constant 0 : i32
    %cond3A_3 = arith.constant 1 : i32
    %cond3A_4 = arith.constant 2 : i32
    %cond3A_5 = arith.constant 3 : i32
    %cond3A_6 = arith.constant 0 : i32
    %cond3A_7 = arith.cmpi ne, %convert_element_type3A, %cond3A_6 : i32
    scf.if %cond3A_7 {
      %mul3A_13 = arith.constant 8 : i32
      %mul3A_14 = arith.muli %add3A, %mul3A_13 : i32
      "tpu.region"() ({
        %run_scoped3A = tpu.sem_alloc : memref<!tpu.dma_semaphore, #tpu.memory_space<semaphore_mem>>
        %dma_start3A_723 = tpu.memref_slice %arg2[%mul3A_14] : memref<768xi32, #tpu.memory_space<hbm>> -> memref<16xi32, #tpu.memory_space<hbm>>
        %dma_start3A_724 = tpu.memref_slice %arg2[%mul3A_14] : memref<768xi32, #tpu.memory_space<hbm>> -> memref<16xi32, #tpu.memory_space<hbm>>
        tpu.enqueue_dma source(%dma_start3A_724 : memref<16xi32, #tpu.memory_space<hbm>>) target(%arg6 : memref<16xi32, #tpu.memory_space<vmem>>) target_semaphore(%run_scoped3A : memref<!tpu.dma_semaphore, #tpu.memory_space<semaphore_mem>>)
        %dma_wait3A_725 = tpu.memref_slice %arg2[%mul3A_14] : memref<768xi32, #tpu.memory_space<hbm>> -> memref<16xi32, #tpu.memory_space<hbm>>
        %dma_wait3A_726 = tpu.memref_slice %arg2[%mul3A_14] : memref<768xi32, #tpu.memory_space<hbm>> -> memref<16xi32, #tpu.memory_space<hbm>>
        tpu.wait_dma2 semaphore(%run_scoped3A : memref<!tpu.dma_semaphore, #tpu.memory_space<semaphore_mem>>) src(%dma_wait3A_726 : memref<16xi32, #tpu.memory_space<hbm>>) dst(%arg6 : memref<16xi32, #tpu.memory_space<vmem>>)
        tpu.yield
      }) : () -> ()
      %add3A_15 = arith.constant 256 : i32
      %add3A_16 = arith.addi %add3A_15, %mul3A_14 : i32
      "tpu.region"() ({
        %run_scoped3A = tpu.sem_alloc : memref<!tpu.dma_semaphore, #tpu.memory_space<semaphore_mem>>
        %dma_start3A_723 = arith.constant 16 : i32
        %dma_start3A_724 = tpu.memref_slice %arg7[%dma_start3A_723] : memref<32xi32, #tpu.memory_space<vmem>> -> memref<16xi32, #tpu.memory_space<vmem>>
        %dma_start3A_725 = tpu.memref_slice %arg2[%add3A_16] : memref<768xi32, #tpu.memory_space<hbm>> -> memref<16xi32, #tpu.memory_space<hbm>>
        %dma_start3A_726 = arith.constant 16 : i32
        %dma_start3A_727 = tpu.memref_slice %arg7[%dma_start3A_726] : memref<32xi32, #tpu.memory_space<vmem>> -> memref<16xi32, #tpu.memory_space<vmem>>
        %dma_start3A_728 = tpu.memref_slice %arg2[%add3A_16] : memref<768xi32, #tpu.memory_space<hbm>> -> memref<16xi32, #tpu.memory_space<hbm>>
        tpu.enqueue_dma source(%dma_start3A_728 : memref<16xi32, #tpu.memory_space<hbm>>) target(%dma_start3A_727 : memref<16xi32, #tpu.memory_space<vmem>>) target_semaphore(%run_scoped3A : memref<!tpu.dma_semaphore, #tpu.memory_space<semaphore_mem>>)
        %dma_wait3A_729 = arith.constant 16 : i32
        %dma_wait3A_730 = tpu.memref_slice %arg7[%dma_wait3A_729] : memref<32xi32, #tpu.memory_space<vmem>> -> memref<16xi32, #tpu.memory_space<vmem>>
        %dma_wait3A_731 = tpu.memref_slice %arg2[%add3A_16] : memref<768xi32, #tpu.memory_space<hbm>> -> memref<16xi32, #tpu.memory_space<hbm>>
        %dma_wait3A_732 = arith.constant 16 : i32
        %dma_wait3A_733 = tpu.memref_slice %arg7[%dma_wait3A_732] : memref<32xi32, #tpu.memory_space<vmem>> -> memref<16xi32, #tpu.memory_space<vmem>>
        %dma_wait3A_734 = tpu.memref_slice %arg2[%add3A_16] : memref<768xi32, #tpu.memory_space<hbm>> -> memref<16xi32, #tpu.memory_space<hbm>>
        tpu.wait_dma2 semaphore(%run_scoped3A : memref<!tpu.dma_semaphore, #tpu.memory_space<semaphore_mem>>) src(%dma_wait3A_734 : memref<16xi32, #tpu.memory_space<hbm>>) dst(%dma_wait3A_733 : memref<16xi32, #tpu.memory_space<vmem>>)
        tpu.yield
      }) : () -> ()
      %add3A_17 = arith.constant 512 : i32
      %add3A_18 = arith.addi %add3A_17, %mul3A_14 : i32
      "tpu.region"() ({
        %run_scoped3A = tpu.sem_alloc : memref<!tpu.dma_semaphore, #tpu.memory_space<semaphore_mem>>
        %dma_start3A_723 = arith.constant 16 : i32
        %dma_start3A_724 = tpu.memref_slice %arg8[%dma_start3A_723] : memref<32xi32, #tpu.memory_space<vmem>> -> memref<16xi32, #tpu.memory_space<vmem>>
        %dma_start3A_725 = tpu.memref_slice %arg2[%add3A_18] : memref<768xi32, #tpu.memory_space<hbm>> -> memref<16xi32, #tpu.memory_space<hbm>>
        %dma_start3A_726 = arith.constant 16 : i32
        %dma_start3A_727 = tpu.memref_slice %arg8[%dma_start3A_726] : memref<32xi32, #tpu.memory_space<vmem>> -> memref<16xi32, #tpu.memory_space<vmem>>
        %dma_start3A_728 = tpu.memref_slice %arg2[%add3A_18] : memref<768xi32, #tpu.memory_space<hbm>> -> memref<16xi32, #tpu.memory_space<hbm>>
        tpu.enqueue_dma source(%dma_start3A_728 : memref<16xi32, #tpu.memory_space<hbm>>) target(%dma_start3A_727 : memref<16xi32, #tpu.memory_space<vmem>>) target_semaphore(%run_scoped3A : memref<!tpu.dma_semaphore, #tpu.memory_space<semaphore_mem>>)
        %dma_wait3A_729 = arith.constant 16 : i32
        %dma_wait3A_730 = tpu.memref_slice %arg8[%dma_wait3A_729] : memref<32xi32, #tpu.memory_space<vmem>> -> memref<16xi32, #tpu.memory_space<vmem>>
        %dma_wait3A_731 = tpu.memref_slice %arg2[%add3A_18] : memref<768xi32, #tpu.memory_space<hbm>> -> memref<16xi32, #tpu.memory_space<hbm>>
        %dma_wait3A_732 = arith.constant 16 : i32
        %dma_wait3A_733 = tpu.memref_slice %arg8[%dma_wait3A_732] : memref<32xi32, #tpu.memory_space<vmem>> -> memref<16xi32, #tpu.memory_space<vmem>>
        %dma_wait3A_734 = tpu.memref_slice %arg2[%add3A_18] : memref<768xi32, #tpu.memory_space<hbm>> -> memref<16xi32, #tpu.memory_space<hbm>>
        tpu.wait_dma2 semaphore(%run_scoped3A : memref<!tpu.dma_semaphore, #tpu.memory_space<semaphore_mem>>) src(%dma_wait3A_734 : memref<16xi32, #tpu.memory_space<hbm>>) dst(%dma_wait3A_733 : memref<16xi32, #tpu.memory_space<vmem>>)
        tpu.yield
      }) : () -> ()
      %get3A = arith.constant 0 : index
      %get3A_19 = tpu.vector_load %arg6[%get3A] {strides = array<i32>} : memref<16xi32, #tpu.memory_space<vmem>>, vector<16xi32>,
      %slice3A = vector.extract_strided_slice %get3A_19 {offsets = [0], sizes = [1], strides = [1]} : vector<16xi32> to vector<1xi32>
      %squeeze3A = vector.extract %slice3A[0] : i32 from vector<1xi32>
      %multiple_of3A = tpu.assume_multiple %squeeze3A, 128 : i32
      %dma_start3A = arith.constant 0 : i32
      %dma_start3A_20 = arith.constant 0 : i32
      %dma_start3A_21 = tpu.memref_slice %arg9[%cond3A, %dma_start3A, %dma_start3A_20] : memref<4x64x128xf32, #tpu.memory_space<vmem>> -> memref<1x64x128xf32, #tpu.memory_space<vmem>>
      %dma_start3A_22 = tpu.memref_squeeze %dma_start3A_21 : memref<1x64x128xf32, #tpu.memory_space<vmem>> -> memref<64x128xf32, #tpu.memory_space<vmem>>
      %dma_start3A_23 = arith.constant 0 : i32
      %dma_start3A_24 = tpu.memref_slice %arg4[%dma_start3A_23, %multiple_of3A] : memref<64x1000000xf32, #tpu.memory_space<hbm>> -> memref<64x128xf32, #tpu.memory_space<hbm>>
      %dma_start3A_25 = arith.constant 0 : i32
      %dma_start3A_26 = arith.constant 0 : i32
      %dma_start3A_27 = tpu.memref_slice %arg9[%cond3A, %dma_start3A_25, %dma_start3A_26] : memref<4x64x128xf32, #tpu.memory_space<vmem>> -> memref<1x64x128xf32, #tpu.memory_space<vmem>>
      %dma_start3A_28 = tpu.memref_squeeze %dma_start3A_27 : memref<1x64x128xf32, #tpu.memory_space<vmem>> -> memref<64x128xf32, #tpu.memory_space<vmem>>
      %dma_start3A_29 = arith.constant 0 : i32
      %dma_start3A_30 = tpu.memref_slice %arg4[%dma_start3A_29, %multiple_of3A] : memref<64x1000000xf32, #tpu.memory_space<hbm>> -> memref<64x128xf32, #tpu.memory_space<hbm>>
      tpu.enqueue_dma source(%dma_start3A_30 : memref<64x128xf32, #tpu.memory_space<hbm>>) target(%dma_start3A_28 : memref<64x128xf32, #tpu.memory_space<vmem>>) target_semaphore(%arg11 : memref<!tpu.dma_semaphore, #tpu.memory_space<semaphore_mem>>)
      %slice3A_31 = vector.extract_strided_slice %get3A_19 {offsets = [1], sizes = [1], strides = [1]} : vector<16xi32> to vector<1xi32>
      %squeeze3A_32 = vector.extract %slice3A_31[0] : i32 from vector<1xi32>
      %multiple_of3A_33 = tpu.assume_multiple %squeeze3A_32, 128 : i32
      %dma_start3A_34 = arith.constant 0 : i32
      %dma_start3A_35 = arith.constant 0 : i32
      %dma_start3A_36 = tpu.memref_slice %arg9[%cond3A_3, %dma_start3A_34, %dma_start3A_35] : memref<4x64x128xf32, #tpu.memory_space<vmem>> -> memref<1x64x128xf32, #tpu.memory_space<vmem>>
      %dma_start3A_37 = tpu.memref_squeeze %dma_start3A_36 : memref<1x64x128xf32, #tpu.memory_space<vmem>> -> memref<64x128xf32, #tpu.memory_space<vmem>>
      %dma_start3A_38 = arith.constant 0 : i32
      %dma_start3A_39 = tpu.memref_slice %arg4[%dma_start3A_38, %multiple_of3A_33] : memref<64x1000000xf32, #tpu.memory_space<hbm>> -> memref<64x128xf32, #tpu.memory_space<hbm>>
      %dma_start3A_40 = arith.constant 0 : i32
      %dma_start3A_41 = arith.constant 0 : i32
      %dma_start3A_42 = tpu.memref_slice %arg9[%cond3A_3, %dma_start3A_40, %dma_start3A_41] : memref<4x64x128xf32, #tpu.memory_space<vmem>> -> memref<1x64x128xf32, #tpu.memory_space<vmem>>
      %dma_start3A_43 = tpu.memref_squeeze %dma_start3A_42 : memref<1x64x128xf32, #tpu.memory_space<vmem>> -> memref<64x128xf32, #tpu.memory_space<vmem>>
      %dma_start3A_44 = arith.constant 0 : i32
      %dma_start3A_45 = tpu.memref_slice %arg4[%dma_start3A_44, %multiple_of3A_33] : memref<64x1000000xf32, #tpu.memory_space<hbm>> -> memref<64x128xf32, #tpu.memory_space<hbm>>
      tpu.enqueue_dma source(%dma_start3A_45 : memref<64x128xf32, #tpu.memory_space<hbm>>) target(%dma_start3A_43 : memref<64x128xf32, #tpu.memory_space<vmem>>) target_semaphore(%arg11 : memref<!tpu.dma_semaphore, #tpu.memory_space<semaphore_mem>>)
      %slice3A_46 = vector.extract_strided_slice %get3A_19 {offsets = [2], sizes = [1], strides = [1]} : vector<16xi32> to vector<1xi32>
      %squeeze3A_47 = vector.extract %slice3A_46[0] : i32 from vector<1xi32>
      %multiple_of3A_48 = tpu.assume_multiple %squeeze3A_47, 128 : i32
      %dma_start3A_49 = arith.constant 0 : i32
      %dma_start3A_50 = arith.constant 0 : i32
      %dma_start3A_51 = tpu.memref_slice %arg9[%cond3A_4, %dma_start3A_49, %dma_start3A_50] : memref<4x64x128xf32, #tpu.memory_space<vmem>> -> memref<1x64x128xf32, #tpu.memory_space<vmem>>
      %dma_start3A_52 = tpu.memref_squeeze %dma_start3A_51 : memref<1x64x128xf32, #tpu.memory_space<vmem>> -> memref<64x128xf32, #tpu.memory_space<vmem>>
      %dma_start3A_53 = arith.constant 0 : i32
      %dma_start3A_54 = tpu.memref_slice %arg4[%dma_start3A_53, %multiple_of3A_48] : memref<64x1000000xf32, #tpu.memory_space<hbm>> -> memref<64x128xf32, #tpu.memory_space<hbm>>
      %dma_start3A_55 = arith.constant 0 : i32
      %dma_start3A_56 = arith.constant 0 : i32
      %dma_start3A_57 = tpu.memref_slice %arg9[%cond3A_4, %dma_start3A_55, %dma_start3A_56] : memref<4x64x128xf32, #tpu.memory_space<vmem>> -> memref<1x64x128xf32, #tpu.memory_space<vmem>>
      %dma_start3A_58 = tpu.memref_squeeze %dma_start3A_57 : memref<1x64x128xf32, #tpu.memory_space<vmem>> -> memref<64x128xf32, #tpu.memory_space<vmem>>
      %dma_start3A_59 = arith.constant 0 : i32
      %dma_start3A_60 = tpu.memref_slice %arg4[%dma_start3A_59, %multiple_of3A_48] : memref<64x1000000xf32, #tpu.memory_space<hbm>> -> memref<64x128xf32, #tpu.memory_space<hbm>>
      tpu.enqueue_dma source(%dma_start3A_60 : memref<64x128xf32, #tpu.memory_space<hbm>>) target(%dma_start3A_58 : memref<64x128xf32, #tpu.memory_space<vmem>>) target_semaphore(%arg11 : memref<!tpu.dma_semaphore, #tpu.memory_space<semaphore_mem>>)
      %broadcast_in_dim3A = arith.constant 0.000000e+00 : f32
      %broadcast_in_dim3A_61 = vector.broadcast %broadcast_in_dim3A : f32 to vector<16xf32>
      %broadcast_in_dim3A_62 = arith.constant 0.000000e+00 : f32
      %broadcast_in_dim3A_63 = vector.broadcast %broadcast_in_dim3A_62 : f32 to vector<16xf32>
      %broadcast_in_dim3A_64 = arith.constant 0.000000e+00 : f32
      %broadcast_in_dim3A_65 = vector.broadcast %broadcast_in_dim3A_64 : f32 to vector<16xf32>
      %broadcast_in_dim3A_66 = arith.constant 0.000000e+00 : f32
      %broadcast_in_dim3A_67 = vector.broadcast %broadcast_in_dim3A_66 : f32 to vector<16xf32>
      %slice3A_68 = vector.extract_strided_slice %get3A_19 {offsets = [3], sizes = [1], strides = [1]} : vector<16xi32> to vector<1xi32>
      %squeeze3A_69 = vector.extract %slice3A_68[0] : i32 from vector<1xi32>
      %multiple_of3A_70 = tpu.assume_multiple %squeeze3A_69, 128 : i32
      %dma_start3A_71 = arith.constant 0 : i32
      %dma_start3A_72 = arith.constant 0 : i32
      %dma_start3A_73 = tpu.memref_slice %arg9[%cond3A_5, %dma_start3A_71, %dma_start3A_72] : memref<4x64x128xf32, #tpu.memory_space<vmem>> -> memref<1x64x128xf32, #tpu.memory_space<vmem>>
      %dma_start3A_74 = tpu.memref_squeeze %dma_start3A_73 : memref<1x64x128xf32, #tpu.memory_space<vmem>> -> memref<64x128xf32, #tpu.memory_space<vmem>>
      %dma_start3A_75 = arith.constant 0 : i32
      %dma_start3A_76 = tpu.memref_slice %arg4[%dma_start3A_75, %multiple_of3A_70] : memref<64x1000000xf32, #tpu.memory_space<hbm>> -> memref<64x128xf32, #tpu.memory_space<hbm>>
      %dma_start3A_77 = arith.constant 0 : i32
      %dma_start3A_78 = arith.constant 0 : i32
      %dma_start3A_79 = tpu.memref_slice %arg9[%cond3A_5, %dma_start3A_77, %dma_start3A_78] : memref<4x64x128xf32, #tpu.memory_space<vmem>> -> memref<1x64x128xf32, #tpu.memory_space<vmem>>
      %dma_start3A_80 = tpu.memref_squeeze %dma_start3A_79 : memref<1x64x128xf32, #tpu.memory_space<vmem>> -> memref<64x128xf32, #tpu.memory_space<vmem>>
      %dma_start3A_81 = arith.constant 0 : i32
      %dma_start3A_82 = tpu.memref_slice %arg4[%dma_start3A_81, %multiple_of3A_70] : memref<64x1000000xf32, #tpu.memory_space<hbm>> -> memref<64x128xf32, #tpu.memory_space<hbm>>
      tpu.enqueue_dma source(%dma_start3A_82 : memref<64x128xf32, #tpu.memory_space<hbm>>) target(%dma_start3A_80 : memref<64x128xf32, #tpu.memory_space<vmem>>) target_semaphore(%arg11 : memref<!tpu.dma_semaphore, #tpu.memory_space<semaphore_mem>>)
      %dma_wait3A = arith.constant 0 : i32
      %dma_wait3A_83 = arith.constant 0 : i32
      %dma_wait3A_84 = tpu.memref_slice %arg9[%cond3A, %dma_wait3A, %dma_wait3A_83] : memref<4x64x128xf32, #tpu.memory_space<vmem>> -> memref<1x64x128xf32, #tpu.memory_space<vmem>>
      %dma_wait3A_85 = tpu.memref_squeeze %dma_wait3A_84 : memref<1x64x128xf32, #tpu.memory_space<vmem>> -> memref<64x128xf32, #tpu.memory_space<vmem>>
      %dma_wait3A_86 = arith.constant 0 : i32
      %dma_wait3A_87 = tpu.memref_slice %arg4[%dma_wait3A_86, %multiple_of3A] : memref<64x1000000xf32, #tpu.memory_space<hbm>> -> memref<64x128xf32, #tpu.memory_space<hbm>>
      %dma_wait3A_88 = arith.constant 0 : i32
      %dma_wait3A_89 = arith.constant 0 : i32
      %dma_wait3A_90 = tpu.memref_slice %arg9[%cond3A, %dma_wait3A_88, %dma_wait3A_89] : memref<4x64x128xf32, #tpu.memory_space<vmem>> -> memref<1x64x128xf32, #tpu.memory_space<vmem>>
      %dma_wait3A_91 = tpu.memref_squeeze %dma_wait3A_90 : memref<1x64x128xf32, #tpu.memory_space<vmem>> -> memref<64x128xf32, #tpu.memory_space<vmem>>
      %dma_wait3A_92 = arith.constant 0 : i32
      %dma_wait3A_93 = tpu.memref_slice %arg4[%dma_wait3A_92, %multiple_of3A] : memref<64x1000000xf32, #tpu.memory_space<hbm>> -> memref<64x128xf32, #tpu.memory_space<hbm>>
      tpu.wait_dma2 semaphore(%arg11 : memref<!tpu.dma_semaphore, #tpu.memory_space<semaphore_mem>>) src(%dma_wait3A_93 : memref<64x128xf32, #tpu.memory_space<hbm>>) dst(%dma_wait3A_91 : memref<64x128xf32, #tpu.memory_space<vmem>>)
      %broadcast_in_dim3A_94 = arith.constant 16 : i32
      %broadcast_in_dim3A_95 = vector.broadcast %broadcast_in_dim3A_94 : i32 to vector<16xi32>
      %gather3A = tpu.vector_load_idx %arg7[%broadcast_in_dim3A_95] : memref<32xi32, #tpu.memory_space<vmem>>[vector<16xi32>], vector<16xi32>,
      %broadcast_in_dim3A_96 = arith.constant 16 : i32
      %broadcast_in_dim3A_97 = vector.broadcast %broadcast_in_dim3A_96 : i32 to vector<16xi32>
      %gather3A_98 = tpu.vector_load_idx %arg8[%broadcast_in_dim3A_97] : memref<32xi32, #tpu.memory_space<vmem>>[vector<16xi32>], vector<16xi32>,
      %broadcast_in_dim3A_99 = arith.constant 0.000000e+00 : f32
      %broadcast_in_dim3A_100 = vector.broadcast %broadcast_in_dim3A_99 : f32 to vector<16xf32>
      %add3A_101 = arith.constant 0 : i32
      %add3A_102 = vector.broadcast %add3A_101 : i32 to vector<16xi32>
      %add3A_103 = arith.addi %iota3A, %add3A_102 : vector<16xi32>
      %gather3A_104 = arith.constant 0 : i32
      %gather3A_105 = arith.constant 0 : i32
      %gather3A_106 = tpu.memref_slice %arg9[%cond3A, %gather3A_104, %gather3A_105] : memref<4x64x128xf32, #tpu.memory_space<vmem>> -> memref<1x64x128xf32, #tpu.memory_space<vmem>>
      %gather3A_107 = tpu.memref_squeeze %gather3A_106 : memref<1x64x128xf32, #tpu.memory_space<vmem>> -> memref<64x128xf32, #tpu.memory_space<vmem>>
      %gather3A_108 = tpu.vector_load_idx %gather3A_107[%add3A_103, %gather3A] : memref<64x128xf32, #tpu.memory_space<vmem>>[vector<16xi32>, vector<16xi32>], vector<16xf32>,
      %add3A_109 = arith.constant 16 : i32
      %add3A_110 = vector.broadcast %add3A_109 : i32 to vector<16xi32>
      %add3A_111 = arith.addi %iota3A, %add3A_110 : vector<16xi32>
      %gather3A_112 = arith.constant 0 : i32
      %gather3A_113 = arith.constant 0 : i32
      %gather3A_114 = tpu.memref_slice %arg9[%cond3A, %gather3A_112, %gather3A_113] : memref<4x64x128xf32, #tpu.memory_space<vmem>> -> memref<1x64x128xf32, #tpu.memory_space<vmem>>
      %gather3A_115 = tpu.memref_squeeze %gather3A_114 : memref<1x64x128xf32, #tpu.memory_space<vmem>> -> memref<64x128xf32, #tpu.memory_space<vmem>>
      %gather3A_116 = tpu.vector_load_idx %gather3A_115[%add3A_111, %gather3A] : memref<64x128xf32, #tpu.memory_space<vmem>>[vector<16xi32>, vector<16xi32>], vector<16xf32>,
      %add3A_117 = arith.constant 32 : i32
      %add3A_118 = vector.broadcast %add3A_117 : i32 to vector<16xi32>
      %add3A_119 = arith.addi %iota3A, %add3A_118 : vector<16xi32>
      %gather3A_120 = arith.constant 0 : i32
      %gather3A_121 = arith.constant 0 : i32
      %gather3A_122 = tpu.memref_slice %arg9[%cond3A, %gather3A_120, %gather3A_121] : memref<4x64x128xf32, #tpu.memory_space<vmem>> -> memref<1x64x128xf32, #tpu.memory_space<vmem>>
      %gather3A_123 = tpu.memref_squeeze %gather3A_122 : memref<1x64x128xf32, #tpu.memory_space<vmem>> -> memref<64x128xf32, #tpu.memory_space<vmem>>
      %gather3A_124 = tpu.vector_load_idx %gather3A_123[%add3A_119, %gather3A] : memref<64x128xf32, #tpu.memory_space<vmem>>[vector<16xi32>, vector<16xi32>], vector<16xf32>,
      %add3A_125 = arith.constant 48 : i32
      %add3A_126 = vector.broadcast %add3A_125 : i32 to vector<16xi32>
      %add3A_127 = arith.addi %iota3A, %add3A_126 : vector<16xi32>
      %gather3A_128 = arith.constant 0 : i32
      %gather3A_129 = arith.constant 0 : i32
      %gather3A_130 = tpu.memref_slice %arg9[%cond3A, %gather3A_128, %gather3A_129] : memref<4x64x128xf32, #tpu.memory_space<vmem>> -> memref<1x64x128xf32, #tpu.memory_space<vmem>>
      %gather3A_131 = tpu.memref_squeeze %gather3A_130 : memref<1x64x128xf32, #tpu.memory_space<vmem>> -> memref<64x128xf32, #tpu.memory_space<vmem>>
      %gather3A_132 = tpu.vector_load_idx %gather3A_131[%add3A_127, %gather3A] : memref<64x128xf32, #tpu.memory_space<vmem>>[vector<16xi32>, vector<16xi32>], vector<16xf32>,
      %eq3A_133 = arith.constant 0 : i32
      %eq3A_134 = vector.broadcast %eq3A_133 : i32 to vector<16xi32>
      %eq3A_135 = arith.cmpi eq, %gather3A_98, %eq3A_134 : vector<16xi32>
      %select_n3A = arith.select %eq3A_135, %gather3A_108, %broadcast_in_dim3A_100 : vector<16xi1>, vector<16xf32>
      %add3A_136 = arith.addf %broadcast_in_dim3A_61, %select_n3A : vector<16xf32>
      %eq3A_137 = arith.constant 0 : i32
      %eq3A_138 = vector.broadcast %eq3A_137 : i32 to vector<16xi32>
      %eq3A_139 = arith.cmpi eq, %gather3A_98, %eq3A_138 : vector<16xi32>
      %select_n3A_140 = arith.select %eq3A_139, %gather3A_116, %broadcast_in_dim3A_100 : vector<16xi1>, vector<16xf32>
      %add3A_141 = arith.addf %broadcast_in_dim3A_63, %select_n3A_140 : vector<16xf32>
      %eq3A_142 = arith.constant 0 : i32
      %eq3A_143 = vector.broadcast %eq3A_142 : i32 to vector<16xi32>
      %eq3A_144 = arith.cmpi eq, %gather3A_98, %eq3A_143 : vector<16xi32>
      %select_n3A_145 = arith.select %eq3A_144, %gather3A_124, %broadcast_in_dim3A_100 : vector<16xi1>, vector<16xf32>
      %add3A_146 = arith.addf %broadcast_in_dim3A_65, %select_n3A_145 : vector<16xf32>
      %eq3A_147 = arith.constant 0 : i32
      %eq3A_148 = vector.broadcast %eq3A_147 : i32 to vector<16xi32>
      %eq3A_149 = arith.cmpi eq, %gather3A_98, %eq3A_148 : vector<16xi32>
      %select_n3A_150 = arith.select %eq3A_149, %gather3A_132, %broadcast_in_dim3A_100 : vector<16xi1>, vector<16xf32>
      %add3A_151 = arith.addf %broadcast_in_dim3A_67, %select_n3A_150 : vector<16xf32>
      %slice3A_152 = vector.extract_strided_slice %get3A_19 {offsets = [4], sizes = [1], strides = [1]} : vector<16xi32> to vector<1xi32>
      %squeeze3A_153 = vector.extract %slice3A_152[0] : i32 from vector<1xi32>
      %multiple_of3A_154 = tpu.assume_multiple %squeeze3A_153, 128 : i32
      %dma_start3A_155 = arith.constant 0 : i32
      %dma_start3A_156 = arith.constant 0 : i32
      %dma_start3A_157 = tpu.memref_slice %arg9[%cond3A, %dma_start3A_155, %dma_start3A_156] : memref<4x64x128xf32, #tpu.memory_space<vmem>> -> memref<1x64x128xf32, #tpu.memory_space<vmem>>
      %dma_start3A_158 = tpu.memref_squeeze %dma_start3A_157 : memref<1x64x128xf32, #tpu.memory_space<vmem>> -> memref<64x128xf32, #tpu.memory_space<vmem>>
      %dma_start3A_159 = arith.constant 0 : i32
      %dma_start3A_160 = tpu.memref_slice %arg4[%dma_start3A_159, %multiple_of3A_154] : memref<64x1000000xf32, #tpu.memory_space<hbm>> -> memref<64x128xf32, #tpu.memory_space<hbm>>
      %dma_start3A_161 = arith.constant 0 : i32
      %dma_start3A_162 = arith.constant 0 : i32
      %dma_start3A_163 = tpu.memref_slice %arg9[%cond3A, %dma_start3A_161, %dma_start3A_162] : memref<4x64x128xf32, #tpu.memory_space<vmem>> -> memref<1x64x128xf32, #tpu.memory_space<vmem>>
      %dma_start3A_164 = tpu.memref_squeeze %dma_start3A_163 : memref<1x64x128xf32, #tpu.memory_space<vmem>> -> memref<64x128xf32, #tpu.memory_space<vmem>>
      %dma_start3A_165 = arith.constant 0 : i32
      %dma_start3A_166 = tpu.memref_slice %arg4[%dma_start3A_165, %multiple_of3A_154] : memref<64x1000000xf32, #tpu.memory_space<hbm>> -> memref<64x128xf32, #tpu.memory_space<hbm>>
      tpu.enqueue_dma source(%dma_start3A_166 : memref<64x128xf32, #tpu.memory_space<hbm>>) target(%dma_start3A_164 : memref<64x128xf32, #tpu.memory_space<vmem>>) target_semaphore(%arg11 : memref<!tpu.dma_semaphore, #tpu.memory_space<semaphore_mem>>)
      %dma_wait3A_167 = arith.constant 0 : i32
      %dma_wait3A_168 = arith.constant 0 : i32
      %dma_wait3A_169 = tpu.memref_slice %arg9[%cond3A_3, %dma_wait3A_167, %dma_wait3A_168] : memref<4x64x128xf32, #tpu.memory_space<vmem>> -> memref<1x64x128xf32, #tpu.memory_space<vmem>>
      %dma_wait3A_170 = tpu.memref_squeeze %dma_wait3A_169 : memref<1x64x128xf32, #tpu.memory_space<vmem>> -> memref<64x128xf32, #tpu.memory_space<vmem>>
      %dma_wait3A_171 = arith.constant 0 : i32
      %dma_wait3A_172 = tpu.memref_slice %arg4[%dma_wait3A_171, %multiple_of3A_33] : memref<64x1000000xf32, #tpu.memory_space<hbm>> -> memref<64x128xf32, #tpu.memory_space<hbm>>
      %dma_wait3A_173 = arith.constant 0 : i32
      %dma_wait3A_174 = arith.constant 0 : i32
      %dma_wait3A_175 = tpu.memref_slice %arg9[%cond3A_3, %dma_wait3A_173, %dma_wait3A_174] : memref<4x64x128xf32, #tpu.memory_space<vmem>> -> memref<1x64x128xf32, #tpu.memory_space<vmem>>
      %dma_wait3A_176 = tpu.memref_squeeze %dma_wait3A_175 : memref<1x64x128xf32, #tpu.memory_space<vmem>> -> memref<64x128xf32, #tpu.memory_space<vmem>>
      %dma_wait3A_177 = arith.constant 0 : i32
      %dma_wait3A_178 = tpu.memref_slice %arg4[%dma_wait3A_177, %multiple_of3A_33] : memref<64x1000000xf32, #tpu.memory_space<hbm>> -> memref<64x128xf32, #tpu.memory_space<hbm>>
      tpu.wait_dma2 semaphore(%arg11 : memref<!tpu.dma_semaphore, #tpu.memory_space<semaphore_mem>>) src(%dma_wait3A_178 : memref<64x128xf32, #tpu.memory_space<hbm>>) dst(%dma_wait3A_176 : memref<64x128xf32, #tpu.memory_space<vmem>>)
      %broadcast_in_dim3A_179 = arith.constant 17 : i32
      %broadcast_in_dim3A_180 = vector.broadcast %broadcast_in_dim3A_179 : i32 to vector<16xi32>
      %gather3A_181 = tpu.vector_load_idx %arg7[%broadcast_in_dim3A_180] : memref<32xi32, #tpu.memory_space<vmem>>[vector<16xi32>], vector<16xi32>,
      %broadcast_in_dim3A_182 = arith.constant 17 : i32
      %broadcast_in_dim3A_183 = vector.broadcast %broadcast_in_dim3A_182 : i32 to vector<16xi32>
      %gather3A_184 = tpu.vector_load_idx %arg8[%broadcast_in_dim3A_183] : memref<32xi32, #tpu.memory_space<vmem>>[vector<16xi32>], vector<16xi32>,
      %broadcast_in_dim3A_185 = arith.constant 0.000000e+00 : f32
      %broadcast_in_dim3A_186 = vector.broadcast %broadcast_in_dim3A_185 : f32 to vector<16xf32>
      %add3A_187 = arith.constant 0 : i32
      %add3A_188 = vector.broadcast %add3A_187 : i32 to vector<16xi32>
      %add3A_189 = arith.addi %iota3A, %add3A_188 : vector<16xi32>
      %gather3A_190 = arith.constant 0 : i32
      %gather3A_191 = arith.constant 0 : i32
      %gather3A_192 = tpu.memref_slice %arg9[%cond3A_3, %gather3A_190, %gather3A_191] : memref<4x64x128xf32, #tpu.memory_space<vmem>> -> memref<1x64x128xf32, #tpu.memory_space<vmem>>
      %gather3A_193 = tpu.memref_squeeze %gather3A_192 : memref<1x64x128xf32, #tpu.memory_space<vmem>> -> memref<64x128xf32, #tpu.memory_space<vmem>>
      %gather3A_194 = tpu.vector_load_idx %gather3A_193[%add3A_189, %gather3A_181] : memref<64x128xf32, #tpu.memory_space<vmem>>[vector<16xi32>, vector<16xi32>], vector<16xf32>,
      %add3A_195 = arith.constant 16 : i32
      %add3A_196 = vector.broadcast %add3A_195 : i32 to vector<16xi32>
      %add3A_197 = arith.addi %iota3A, %add3A_196 : vector<16xi32>
      %gather3A_198 = arith.constant 0 : i32
      %gather3A_199 = arith.constant 0 : i32
      %gather3A_200 = tpu.memref_slice %arg9[%cond3A_3, %gather3A_198, %gather3A_199] : memref<4x64x128xf32, #tpu.memory_space<vmem>> -> memref<1x64x128xf32, #tpu.memory_space<vmem>>
      %gather3A_201 = tpu.memref_squeeze %gather3A_200 : memref<1x64x128xf32, #tpu.memory_space<vmem>> -> memref<64x128xf32, #tpu.memory_space<vmem>>
      %gather3A_202 = tpu.vector_load_idx %gather3A_201[%add3A_197, %gather3A_181] : memref<64x128xf32, #tpu.memory_space<vmem>>[vector<16xi32>, vector<16xi32>], vector<16xf32>,
      %add3A_203 = arith.constant 32 : i32
      %add3A_204 = vector.broadcast %add3A_203 : i32 to vector<16xi32>
      %add3A_205 = arith.addi %iota3A, %add3A_204 : vector<16xi32>
      %gather3A_206 = arith.constant 0 : i32
      %gather3A_207 = arith.constant 0 : i32
      %gather3A_208 = tpu.memref_slice %arg9[%cond3A_3, %gather3A_206, %gather3A_207] : memref<4x64x128xf32, #tpu.memory_space<vmem>> -> memref<1x64x128xf32, #tpu.memory_space<vmem>>
      %gather3A_209 = tpu.memref_squeeze %gather3A_208 : memref<1x64x128xf32, #tpu.memory_space<vmem>> -> memref<64x128xf32, #tpu.memory_space<vmem>>
      %gather3A_210 = tpu.vector_load_idx %gather3A_209[%add3A_205, %gather3A_181] : memref<64x128xf32, #tpu.memory_space<vmem>>[vector<16xi32>, vector<16xi32>], vector<16xf32>,
      %add3A_211 = arith.constant 48 : i32
      %add3A_212 = vector.broadcast %add3A_211 : i32 to vector<16xi32>
      %add3A_213 = arith.addi %iota3A, %add3A_212 : vector<16xi32>
      %gather3A_214 = arith.constant 0 : i32
      %gather3A_215 = arith.constant 0 : i32
      %gather3A_216 = tpu.memref_slice %arg9[%cond3A_3, %gather3A_214, %gather3A_215] : memref<4x64x128xf32, #tpu.memory_space<vmem>> -> memref<1x64x128xf32, #tpu.memory_space<vmem>>
      %gather3A_217 = tpu.memref_squeeze %gather3A_216 : memref<1x64x128xf32, #tpu.memory_space<vmem>> -> memref<64x128xf32, #tpu.memory_space<vmem>>
      %gather3A_218 = tpu.vector_load_idx %gather3A_217[%add3A_213, %gather3A_181] : memref<64x128xf32, #tpu.memory_space<vmem>>[vector<16xi32>, vector<16xi32>], vector<16xf32>,
      %eq3A_219 = arith.constant 0 : i32
      %eq3A_220 = vector.broadcast %eq3A_219 : i32 to vector<16xi32>
      %eq3A_221 = arith.cmpi eq, %gather3A_184, %eq3A_220 : vector<16xi32>
      %select_n3A_222 = arith.select %eq3A_221, %gather3A_194, %broadcast_in_dim3A_186 : vector<16xi1>, vector<16xf32>
      %add3A_223 = arith.addf %add3A_136, %select_n3A_222 : vector<16xf32>
      %eq3A_224 = arith.constant 0 : i32
      %eq3A_225 = vector.broadcast %eq3A_224 : i32 to vector<16xi32>
      %eq3A_226 = arith.cmpi eq, %gather3A_184, %eq3A_225 : vector<16xi32>
      %select_n3A_227 = arith.select %eq3A_226, %gather3A_202, %broadcast_in_dim3A_186 : vector<16xi1>, vector<16xf32>
      %add3A_228 = arith.addf %add3A_141, %select_n3A_227 : vector<16xf32>
      %eq3A_229 = arith.constant 0 : i32
      %eq3A_230 = vector.broadcast %eq3A_229 : i32 to vector<16xi32>
      %eq3A_231 = arith.cmpi eq, %gather3A_184, %eq3A_230 : vector<16xi32>
      %select_n3A_232 = arith.select %eq3A_231, %gather3A_210, %broadcast_in_dim3A_186 : vector<16xi1>, vector<16xf32>
      %add3A_233 = arith.addf %add3A_146, %select_n3A_232 : vector<16xf32>
      %eq3A_234 = arith.constant 0 : i32
      %eq3A_235 = vector.broadcast %eq3A_234 : i32 to vector<16xi32>
      %eq3A_236 = arith.cmpi eq, %gather3A_184, %eq3A_235 : vector<16xi32>
      %select_n3A_237 = arith.select %eq3A_236, %gather3A_218, %broadcast_in_dim3A_186 : vector<16xi1>, vector<16xf32>
      %add3A_238 = arith.addf %add3A_151, %select_n3A_237 : vector<16xf32>
      %slice3A_239 = vector.extract_strided_slice %get3A_19 {offsets = [5], sizes = [1], strides = [1]} : vector<16xi32> to vector<1xi32>
      %squeeze3A_240 = vector.extract %slice3A_239[0] : i32 from vector<1xi32>
      %multiple_of3A_241 = tpu.assume_multiple %squeeze3A_240, 128 : i32
      %dma_start3A_242 = arith.constant 0 : i32
      %dma_start3A_243 = arith.constant 0 : i32
      %dma_start3A_244 = tpu.memref_slice %arg9[%cond3A_3, %dma_start3A_242, %dma_start3A_243] : memref<4x64x128xf32, #tpu.memory_space<vmem>> -> memref<1x64x128xf32, #tpu.memory_space<vmem>>
      %dma_start3A_245 = tpu.memref_squeeze %dma_start3A_244 : memref<1x64x128xf32, #tpu.memory_space<vmem>> -> memref<64x128xf32, #tpu.memory_space<vmem>>
      %dma_start3A_246 = arith.constant 0 : i32
      %dma_start3A_247 = tpu.memref_slice %arg4[%dma_start3A_246, %multiple_of3A_241] : memref<64x1000000xf32, #tpu.memory_space<hbm>> -> memref<64x128xf32, #tpu.memory_space<hbm>>
      %dma_start3A_248 = arith.constant 0 : i32
      %dma_start3A_249 = arith.constant 0 : i32
      %dma_start3A_250 = tpu.memref_slice %arg9[%cond3A_3, %dma_start3A_248, %dma_start3A_249] : memref<4x64x128xf32, #tpu.memory_space<vmem>> -> memref<1x64x128xf32, #tpu.memory_space<vmem>>
      %dma_start3A_251 = tpu.memref_squeeze %dma_start3A_250 : memref<1x64x128xf32, #tpu.memory_space<vmem>> -> memref<64x128xf32, #tpu.memory_space<vmem>>
      %dma_start3A_252 = arith.constant 0 : i32
      %dma_start3A_253 = tpu.memref_slice %arg4[%dma_start3A_252, %multiple_of3A_241] : memref<64x1000000xf32, #tpu.memory_space<hbm>> -> memref<64x128xf32, #tpu.memory_space<hbm>>
      tpu.enqueue_dma source(%dma_start3A_253 : memref<64x128xf32, #tpu.memory_space<hbm>>) target(%dma_start3A_251 : memref<64x128xf32, #tpu.memory_space<vmem>>) target_semaphore(%arg11 : memref<!tpu.dma_semaphore, #tpu.memory_space<semaphore_mem>>)
      %dma_wait3A_254 = arith.constant 0 : i32
      %dma_wait3A_255 = arith.constant 0 : i32
      %dma_wait3A_256 = tpu.memref_slice %arg9[%cond3A_4, %dma_wait3A_254, %dma_wait3A_255] : memref<4x64x128xf32, #tpu.memory_space<vmem>> -> memref<1x64x128xf32, #tpu.memory_space<vmem>>
      %dma_wait3A_257 = tpu.memref_squeeze %dma_wait3A_256 : memref<1x64x128xf32, #tpu.memory_space<vmem>> -> memref<64x128xf32, #tpu.memory_space<vmem>>
      %dma_wait3A_258 = arith.constant 0 : i32
      %dma_wait3A_259 = tpu.memref_slice %arg4[%dma_wait3A_258, %multiple_of3A_48] : memref<64x1000000xf32, #tpu.memory_space<hbm>> -> memref<64x128xf32, #tpu.memory_space<hbm>>
      %dma_wait3A_260 = arith.constant 0 : i32
      %dma_wait3A_261 = arith.constant 0 : i32
      %dma_wait3A_262 = tpu.memref_slice %arg9[%cond3A_4, %dma_wait3A_260, %dma_wait3A_261] : memref<4x64x128xf32, #tpu.memory_space<vmem>> -> memref<1x64x128xf32, #tpu.memory_space<vmem>>
      %dma_wait3A_263 = tpu.memref_squeeze %dma_wait3A_262 : memref<1x64x128xf32, #tpu.memory_space<vmem>> -> memref<64x128xf32, #tpu.memory_space<vmem>>
      %dma_wait3A_264 = arith.constant 0 : i32
      %dma_wait3A_265 = tpu.memref_slice %arg4[%dma_wait3A_264, %multiple_of3A_48] : memref<64x1000000xf32, #tpu.memory_space<hbm>> -> memref<64x128xf32, #tpu.memory_space<hbm>>
      tpu.wait_dma2 semaphore(%arg11 : memref<!tpu.dma_semaphore, #tpu.memory_space<semaphore_mem>>) src(%dma_wait3A_265 : memref<64x128xf32, #tpu.memory_space<hbm>>) dst(%dma_wait3A_263 : memref<64x128xf32, #tpu.memory_space<vmem>>)
      %broadcast_in_dim3A_266 = arith.constant 18 : i32
      %broadcast_in_dim3A_267 = vector.broadcast %broadcast_in_dim3A_266 : i32 to vector<16xi32>
      %gather3A_268 = tpu.vector_load_idx %arg7[%broadcast_in_dim3A_267] : memref<32xi32, #tpu.memory_space<vmem>>[vector<16xi32>], vector<16xi32>,
      %broadcast_in_dim3A_269 = arith.constant 18 : i32
      %broadcast_in_dim3A_270 = vector.broadcast %broadcast_in_dim3A_269 : i32 to vector<16xi32>
      %gather3A_271 = tpu.vector_load_idx %arg8[%broadcast_in_dim3A_270] : memref<32xi32, #tpu.memory_space<vmem>>[vector<16xi32>], vector<16xi32>,
      %broadcast_in_dim3A_272 = arith.constant 0.000000e+00 : f32
      %broadcast_in_dim3A_273 = vector.broadcast %broadcast_in_dim3A_272 : f32 to vector<16xf32>
      %add3A_274 = arith.constant 0 : i32
      %add3A_275 = vector.broadcast %add3A_274 : i32 to vector<16xi32>
      %add3A_276 = arith.addi %iota3A, %add3A_275 : vector<16xi32>
      %gather3A_277 = arith.constant 0 : i32
      %gather3A_278 = arith.constant 0 : i32
      %gather3A_279 = tpu.memref_slice %arg9[%cond3A_4, %gather3A_277, %gather3A_278] : memref<4x64x128xf32, #tpu.memory_space<vmem>> -> memref<1x64x128xf32, #tpu.memory_space<vmem>>
      %gather3A_280 = tpu.memref_squeeze %gather3A_279 : memref<1x64x128xf32, #tpu.memory_space<vmem>> -> memref<64x128xf32, #tpu.memory_space<vmem>>
      %gather3A_281 = tpu.vector_load_idx %gather3A_280[%add3A_276, %gather3A_268] : memref<64x128xf32, #tpu.memory_space<vmem>>[vector<16xi32>, vector<16xi32>], vector<16xf32>,
      %add3A_282 = arith.constant 16 : i32
      %add3A_283 = vector.broadcast %add3A_282 : i32 to vector<16xi32>
      %add3A_284 = arith.addi %iota3A, %add3A_283 : vector<16xi32>
      %gather3A_285 = arith.constant 0 : i32
      %gather3A_286 = arith.constant 0 : i32
      %gather3A_287 = tpu.memref_slice %arg9[%cond3A_4, %gather3A_285, %gather3A_286] : memref<4x64x128xf32, #tpu.memory_space<vmem>> -> memref<1x64x128xf32, #tpu.memory_space<vmem>>
      %gather3A_288 = tpu.memref_squeeze %gather3A_287 : memref<1x64x128xf32, #tpu.memory_space<vmem>> -> memref<64x128xf32, #tpu.memory_space<vmem>>
      %gather3A_289 = tpu.vector_load_idx %gather3A_288[%add3A_284, %gather3A_268] : memref<64x128xf32, #tpu.memory_space<vmem>>[vector<16xi32>, vector<16xi32>], vector<16xf32>,
      %add3A_290 = arith.constant 32 : i32
      %add3A_291 = vector.broadcast %add3A_290 : i32 to vector<16xi32>
      %add3A_292 = arith.addi %iota3A, %add3A_291 : vector<16xi32>
      %gather3A_293 = arith.constant 0 : i32
      %gather3A_294 = arith.constant 0 : i32
      %gather3A_295 = tpu.memref_slice %arg9[%cond3A_4, %gather3A_293, %gather3A_294] : memref<4x64x128xf32, #tpu.memory_space<vmem>> -> memref<1x64x128xf32, #tpu.memory_space<vmem>>
      %gather3A_296 = tpu.memref_squeeze %gather3A_295 : memref<1x64x128xf32, #tpu.memory_space<vmem>> -> memref<64x128xf32, #tpu.memory_space<vmem>>
      %gather3A_297 = tpu.vector_load_idx %gather3A_296[%add3A_292, %gather3A_268] : memref<64x128xf32, #tpu.memory_space<vmem>>[vector<16xi32>, vector<16xi32>], vector<16xf32>,
      %add3A_298 = arith.constant 48 : i32
      %add3A_299 = vector.broadcast %add3A_298 : i32 to vector<16xi32>
      %add3A_300 = arith.addi %iota3A, %add3A_299 : vector<16xi32>
      %gather3A_301 = arith.constant 0 : i32
      %gather3A_302 = arith.constant 0 : i32
      %gather3A_303 = tpu.memref_slice %arg9[%cond3A_4, %gather3A_301, %gather3A_302] : memref<4x64x128xf32, #tpu.memory_space<vmem>> -> memref<1x64x128xf32, #tpu.memory_space<vmem>>
      %gather3A_304 = tpu.memref_squeeze %gather3A_303 : memref<1x64x128xf32, #tpu.memory_space<vmem>> -> memref<64x128xf32, #tpu.memory_space<vmem>>
      %gather3A_305 = tpu.vector_load_idx %gather3A_304[%add3A_300, %gather3A_268] : memref<64x128xf32, #tpu.memory_space<vmem>>[vector<16xi32>, vector<16xi32>], vector<16xf32>,
      %eq3A_306 = arith.constant 0 : i32
      %eq3A_307 = vector.broadcast %eq3A_306 : i32 to vector<16xi32>
      %eq3A_308 = arith.cmpi eq, %gather3A_271, %eq3A_307 : vector<16xi32>
      %select_n3A_309 = arith.select %eq3A_308, %gather3A_281, %broadcast_in_dim3A_273 : vector<16xi1>, vector<16xf32>
      %add3A_310 = arith.addf %add3A_223, %select_n3A_309 : vector<16xf32>
      %eq3A_311 = arith.constant 0 : i32
      %eq3A_312 = vector.broadcast %eq3A_311 : i32 to vector<16xi32>
      %eq3A_313 = arith.cmpi eq, %gather3A_271, %eq3A_312 : vector<16xi32>
      %select_n3A_314 = arith.select %eq3A_313, %gather3A_289, %broadcast_in_dim3A_273 : vector<16xi1>, vector<16xf32>
      %add3A_315 = arith.addf %add3A_228, %select_n3A_314 : vector<16xf32>
      %eq3A_316 = arith.constant 0 : i32
      %eq3A_317 = vector.broadcast %eq3A_316 : i32 to vector<16xi32>
      %eq3A_318 = arith.cmpi eq, %gather3A_271, %eq3A_317 : vector<16xi32>
      %select_n3A_319 = arith.select %eq3A_318, %gather3A_297, %broadcast_in_dim3A_273 : vector<16xi1>, vector<16xf32>
      %add3A_320 = arith.addf %add3A_233, %select_n3A_319 : vector<16xf32>
      %eq3A_321 = arith.constant 0 : i32
      %eq3A_322 = vector.broadcast %eq3A_321 : i32 to vector<16xi32>
      %eq3A_323 = arith.cmpi eq, %gather3A_271, %eq3A_322 : vector<16xi32>
      %select_n3A_324 = arith.select %eq3A_323, %gather3A_305, %broadcast_in_dim3A_273 : vector<16xi1>, vector<16xf32>
      %add3A_325 = arith.addf %add3A_238, %select_n3A_324 : vector<16xf32>
      %slice3A_326 = vector.extract_strided_slice %get3A_19 {offsets = [6], sizes = [1], strides = [1]} : vector<16xi32> to vector<1xi32>
      %squeeze3A_327 = vector.extract %slice3A_326[0] : i32 from vector<1xi32>
      %multiple_of3A_328 = tpu.assume_multiple %squeeze3A_327, 128 : i32
      %dma_start3A_329 = arith.constant 0 : i32
      %dma_start3A_330 = arith.constant 0 : i32
      %dma_start3A_331 = tpu.memref_slice %arg9[%cond3A_4, %dma_start3A_329, %dma_start3A_330] : memref<4x64x128xf32, #tpu.memory_space<vmem>> -> memref<1x64x128xf32, #tpu.memory_space<vmem>>
      %dma_start3A_332 = tpu.memref_squeeze %dma_start3A_331 : memref<1x64x128xf32, #tpu.memory_space<vmem>> -> memref<64x128xf32, #tpu.memory_space<vmem>>
      %dma_start3A_333 = arith.constant 0 : i32
      %dma_start3A_334 = tpu.memref_slice %arg4[%dma_start3A_333, %multiple_of3A_328] : memref<64x1000000xf32, #tpu.memory_space<hbm>> -> memref<64x128xf32, #tpu.memory_space<hbm>>
      %dma_start3A_335 = arith.constant 0 : i32
      %dma_start3A_336 = arith.constant 0 : i32
      %dma_start3A_337 = tpu.memref_slice %arg9[%cond3A_4, %dma_start3A_335, %dma_start3A_336] : memref<4x64x128xf32, #tpu.memory_space<vmem>> -> memref<1x64x128xf32, #tpu.memory_space<vmem>>
      %dma_start3A_338 = tpu.memref_squeeze %dma_start3A_337 : memref<1x64x128xf32, #tpu.memory_space<vmem>> -> memref<64x128xf32, #tpu.memory_space<vmem>>
      %dma_start3A_339 = arith.constant 0 : i32
      %dma_start3A_340 = tpu.memref_slice %arg4[%dma_start3A_339, %multiple_of3A_328] : memref<64x1000000xf32, #tpu.memory_space<hbm>> -> memref<64x128xf32, #tpu.memory_space<hbm>>
      tpu.enqueue_dma source(%dma_start3A_340 : memref<64x128xf32, #tpu.memory_space<hbm>>) target(%dma_start3A_338 : memref<64x128xf32, #tpu.memory_space<vmem>>) target_semaphore(%arg11 : memref<!tpu.dma_semaphore, #tpu.memory_space<semaphore_mem>>)
      %dma_wait3A_341 = arith.constant 0 : i32
      %dma_wait3A_342 = arith.constant 0 : i32
      %dma_wait3A_343 = tpu.memref_slice %arg9[%cond3A_5, %dma_wait3A_341, %dma_wait3A_342] : memref<4x64x128xf32, #tpu.memory_space<vmem>> -> memref<1x64x128xf32, #tpu.memory_space<vmem>>
      %dma_wait3A_344 = tpu.memref_squeeze %dma_wait3A_343 : memref<1x64x128xf32, #tpu.memory_space<vmem>> -> memref<64x128xf32, #tpu.memory_space<vmem>>
      %dma_wait3A_345 = arith.constant 0 : i32
      %dma_wait3A_346 = tpu.memref_slice %arg4[%dma_wait3A_345, %multiple_of3A_70] : memref<64x1000000xf32, #tpu.memory_space<hbm>> -> memref<64x128xf32, #tpu.memory_space<hbm>>
      %dma_wait3A_347 = arith.constant 0 : i32
      %dma_wait3A_348 = arith.constant 0 : i32
      %dma_wait3A_349 = tpu.memref_slice %arg9[%cond3A_5, %dma_wait3A_347, %dma_wait3A_348] : memref<4x64x128xf32, #tpu.memory_space<vmem>> -> memref<1x64x128xf32, #tpu.memory_space<vmem>>
      %dma_wait3A_350 = tpu.memref_squeeze %dma_wait3A_349 : memref<1x64x128xf32, #tpu.memory_space<vmem>> -> memref<64x128xf32, #tpu.memory_space<vmem>>
      %dma_wait3A_351 = arith.constant 0 : i32
      %dma_wait3A_352 = tpu.memref_slice %arg4[%dma_wait3A_351, %multiple_of3A_70] : memref<64x1000000xf32, #tpu.memory_space<hbm>> -> memref<64x128xf32, #tpu.memory_space<hbm>>
      tpu.wait_dma2 semaphore(%arg11 : memref<!tpu.dma_semaphore, #tpu.memory_space<semaphore_mem>>) src(%dma_wait3A_352 : memref<64x128xf32, #tpu.memory_space<hbm>>) dst(%dma_wait3A_350 : memref<64x128xf32, #tpu.memory_space<vmem>>)
      %broadcast_in_dim3A_353 = arith.constant 19 : i32
      %broadcast_in_dim3A_354 = vector.broadcast %broadcast_in_dim3A_353 : i32 to vector<16xi32>
      %gather3A_355 = tpu.vector_load_idx %arg7[%broadcast_in_dim3A_354] : memref<32xi32, #tpu.memory_space<vmem>>[vector<16xi32>], vector<16xi32>,
      %broadcast_in_dim3A_356 = arith.constant 19 : i32
      %broadcast_in_dim3A_357 = vector.broadcast %broadcast_in_dim3A_356 : i32 to vector<16xi32>
      %gather3A_358 = tpu.vector_load_idx %arg8[%broadcast_in_dim3A_357] : memref<32xi32, #tpu.memory_space<vmem>>[vector<16xi32>], vector<16xi32>,
      %broadcast_in_dim3A_359 = arith.constant 0.000000e+00 : f32
      %broadcast_in_dim3A_360 = vector.broadcast %broadcast_in_dim3A_359 : f32 to vector<16xf32>
      %add3A_361 = arith.constant 0 : i32
      %add3A_362 = vector.broadcast %add3A_361 : i32 to vector<16xi32>
      %add3A_363 = arith.addi %iota3A, %add3A_362 : vector<16xi32>
      %gather3A_364 = arith.constant 0 : i32
      %gather3A_365 = arith.constant 0 : i32
      %gather3A_366 = tpu.memref_slice %arg9[%cond3A_5, %gather3A_364, %gather3A_365] : memref<4x64x128xf32, #tpu.memory_space<vmem>> -> memref<1x64x128xf32, #tpu.memory_space<vmem>>
      %gather3A_367 = tpu.memref_squeeze %gather3A_366 : memref<1x64x128xf32, #tpu.memory_space<vmem>> -> memref<64x128xf32, #tpu.memory_space<vmem>>
      %gather3A_368 = tpu.vector_load_idx %gather3A_367[%add3A_363, %gather3A_355] : memref<64x128xf32, #tpu.memory_space<vmem>>[vector<16xi32>, vector<16xi32>], vector<16xf32>,
      %add3A_369 = arith.constant 16 : i32
      %add3A_370 = vector.broadcast %add3A_369 : i32 to vector<16xi32>
      %add3A_371 = arith.addi %iota3A, %add3A_370 : vector<16xi32>
      %gather3A_372 = arith.constant 0 : i32
      %gather3A_373 = arith.constant 0 : i32
      %gather3A_374 = tpu.memref_slice %arg9[%cond3A_5, %gather3A_372, %gather3A_373] : memref<4x64x128xf32, #tpu.memory_space<vmem>> -> memref<1x64x128xf32, #tpu.memory_space<vmem>>
      %gather3A_375 = tpu.memref_squeeze %gather3A_374 : memref<1x64x128xf32, #tpu.memory_space<vmem>> -> memref<64x128xf32, #tpu.memory_space<vmem>>
      %gather3A_376 = tpu.vector_load_idx %gather3A_375[%add3A_371, %gather3A_355] : memref<64x128xf32, #tpu.memory_space<vmem>>[vector<16xi32>, vector<16xi32>], vector<16xf32>,
      %add3A_377 = arith.constant 32 : i32
      %add3A_378 = vector.broadcast %add3A_377 : i32 to vector<16xi32>
      %add3A_379 = arith.addi %iota3A, %add3A_378 : vector<16xi32>
      %gather3A_380 = arith.constant 0 : i32
      %gather3A_381 = arith.constant 0 : i32
      %gather3A_382 = tpu.memref_slice %arg9[%cond3A_5, %gather3A_380, %gather3A_381] : memref<4x64x128xf32, #tpu.memory_space<vmem>> -> memref<1x64x128xf32, #tpu.memory_space<vmem>>
      %gather3A_383 = tpu.memref_squeeze %gather3A_382 : memref<1x64x128xf32, #tpu.memory_space<vmem>> -> memref<64x128xf32, #tpu.memory_space<vmem>>
      %gather3A_384 = tpu.vector_load_idx %gather3A_383[%add3A_379, %gather3A_355] : memref<64x128xf32, #tpu.memory_space<vmem>>[vector<16xi32>, vector<16xi32>], vector<16xf32>,
      %add3A_385 = arith.constant 48 : i32
      %add3A_386 = vector.broadcast %add3A_385 : i32 to vector<16xi32>
      %add3A_387 = arith.addi %iota3A, %add3A_386 : vector<16xi32>
      %gather3A_388 = arith.constant 0 : i32
      %gather3A_389 = arith.constant 0 : i32
      %gather3A_390 = tpu.memref_slice %arg9[%cond3A_5, %gather3A_388, %gather3A_389] : memref<4x64x128xf32, #tpu.memory_space<vmem>> -> memref<1x64x128xf32, #tpu.memory_space<vmem>>
      %gather3A_391 = tpu.memref_squeeze %gather3A_390 : memref<1x64x128xf32, #tpu.memory_space<vmem>> -> memref<64x128xf32, #tpu.memory_space<vmem>>
      %gather3A_392 = tpu.vector_load_idx %gather3A_391[%add3A_387, %gather3A_355] : memref<64x128xf32, #tpu.memory_space<vmem>>[vector<16xi32>, vector<16xi32>], vector<16xf32>,
      %eq3A_393 = arith.constant 0 : i32
      %eq3A_394 = vector.broadcast %eq3A_393 : i32 to vector<16xi32>
      %eq3A_395 = arith.cmpi eq, %gather3A_358, %eq3A_394 : vector<16xi32>
      %select_n3A_396 = arith.select %eq3A_395, %gather3A_368, %broadcast_in_dim3A_360 : vector<16xi1>, vector<16xf32>
      %add3A_397 = arith.addf %add3A_310, %select_n3A_396 : vector<16xf32>
      %eq3A_398 = arith.constant 0 : i32
      %eq3A_399 = vector.broadcast %eq3A_398 : i32 to vector<16xi32>
      %eq3A_400 = arith.cmpi eq, %gather3A_358, %eq3A_399 : vector<16xi32>
      %select_n3A_401 = arith.select %eq3A_400, %gather3A_376, %broadcast_in_dim3A_360 : vector<16xi1>, vector<16xf32>
      %add3A_402 = arith.addf %add3A_315, %select_n3A_401 : vector<16xf32>
      %eq3A_403 = arith.constant 0 : i32
      %eq3A_404 = vector.broadcast %eq3A_403 : i32 to vector<16xi32>
      %eq3A_405 = arith.cmpi eq, %gather3A_358, %eq3A_404 : vector<16xi32>
      %select_n3A_406 = arith.select %eq3A_405, %gather3A_384, %broadcast_in_dim3A_360 : vector<16xi1>, vector<16xf32>
      %add3A_407 = arith.addf %add3A_320, %select_n3A_406 : vector<16xf32>
      %eq3A_408 = arith.constant 0 : i32
      %eq3A_409 = vector.broadcast %eq3A_408 : i32 to vector<16xi32>
      %eq3A_410 = arith.cmpi eq, %gather3A_358, %eq3A_409 : vector<16xi32>
      %select_n3A_411 = arith.select %eq3A_410, %gather3A_392, %broadcast_in_dim3A_360 : vector<16xi1>, vector<16xf32>
      %add3A_412 = arith.addf %add3A_325, %select_n3A_411 : vector<16xf32>
      %slice3A_413 = vector.extract_strided_slice %get3A_19 {offsets = [7], sizes = [1], strides = [1]} : vector<16xi32> to vector<1xi32>
      %squeeze3A_414 = vector.extract %slice3A_413[0] : i32 from vector<1xi32>
      %multiple_of3A_415 = tpu.assume_multiple %squeeze3A_414, 128 : i32
      %dma_start3A_416 = arith.constant 0 : i32
      %dma_start3A_417 = arith.constant 0 : i32
      %dma_start3A_418 = tpu.memref_slice %arg9[%cond3A_5, %dma_start3A_416, %dma_start3A_417] : memref<4x64x128xf32, #tpu.memory_space<vmem>> -> memref<1x64x128xf32, #tpu.memory_space<vmem>>
      %dma_start3A_419 = tpu.memref_squeeze %dma_start3A_418 : memref<1x64x128xf32, #tpu.memory_space<vmem>> -> memref<64x128xf32, #tpu.memory_space<vmem>>
      %dma_start3A_420 = arith.constant 0 : i32
      %dma_start3A_421 = tpu.memref_slice %arg4[%dma_start3A_420, %multiple_of3A_415] : memref<64x1000000xf32, #tpu.memory_space<hbm>> -> memref<64x128xf32, #tpu.memory_space<hbm>>
      %dma_start3A_422 = arith.constant 0 : i32
      %dma_start3A_423 = arith.constant 0 : i32
      %dma_start3A_424 = tpu.memref_slice %arg9[%cond3A_5, %dma_start3A_422, %dma_start3A_423] : memref<4x64x128xf32, #tpu.memory_space<vmem>> -> memref<1x64x128xf32, #tpu.memory_space<vmem>>
      %dma_start3A_425 = tpu.memref_squeeze %dma_start3A_424 : memref<1x64x128xf32, #tpu.memory_space<vmem>> -> memref<64x128xf32, #tpu.memory_space<vmem>>
      %dma_start3A_426 = arith.constant 0 : i32
      %dma_start3A_427 = tpu.memref_slice %arg4[%dma_start3A_426, %multiple_of3A_415] : memref<64x1000000xf32, #tpu.memory_space<hbm>> -> memref<64x128xf32, #tpu.memory_space<hbm>>
      tpu.enqueue_dma source(%dma_start3A_427 : memref<64x128xf32, #tpu.memory_space<hbm>>) target(%dma_start3A_425 : memref<64x128xf32, #tpu.memory_space<vmem>>) target_semaphore(%arg11 : memref<!tpu.dma_semaphore, #tpu.memory_space<semaphore_mem>>)
      %dma_wait3A_428 = arith.constant 0 : i32
      %dma_wait3A_429 = arith.constant 0 : i32
      %dma_wait3A_430 = tpu.memref_slice %arg9[%cond3A, %dma_wait3A_428, %dma_wait3A_429] : memref<4x64x128xf32, #tpu.memory_space<vmem>> -> memref<1x64x128xf32, #tpu.memory_space<vmem>>
      %dma_wait3A_431 = tpu.memref_squeeze %dma_wait3A_430 : memref<1x64x128xf32, #tpu.memory_space<vmem>> -> memref<64x128xf32, #tpu.memory_space<vmem>>
      %dma_wait3A_432 = arith.constant 0 : i32
      %dma_wait3A_433 = tpu.memref_slice %arg4[%dma_wait3A_432, %multiple_of3A_154] : memref<64x1000000xf32, #tpu.memory_space<hbm>> -> memref<64x128xf32, #tpu.memory_space<hbm>>
      %dma_wait3A_434 = arith.constant 0 : i32
      %dma_wait3A_435 = arith.constant 0 : i32
      %dma_wait3A_436 = tpu.memref_slice %arg9[%cond3A, %dma_wait3A_434, %dma_wait3A_435] : memref<4x64x128xf32, #tpu.memory_space<vmem>> -> memref<1x64x128xf32, #tpu.memory_space<vmem>>
      %dma_wait3A_437 = tpu.memref_squeeze %dma_wait3A_436 : memref<1x64x128xf32, #tpu.memory_space<vmem>> -> memref<64x128xf32, #tpu.memory_space<vmem>>
      %dma_wait3A_438 = arith.constant 0 : i32
      %dma_wait3A_439 = tpu.memref_slice %arg4[%dma_wait3A_438, %multiple_of3A_154] : memref<64x1000000xf32, #tpu.memory_space<hbm>> -> memref<64x128xf32, #tpu.memory_space<hbm>>
      tpu.wait_dma2 semaphore(%arg11 : memref<!tpu.dma_semaphore, #tpu.memory_space<semaphore_mem>>) src(%dma_wait3A_439 : memref<64x128xf32, #tpu.memory_space<hbm>>) dst(%dma_wait3A_437 : memref<64x128xf32, #tpu.memory_space<vmem>>)
      %broadcast_in_dim3A_440 = arith.constant 20 : i32
      %broadcast_in_dim3A_441 = vector.broadcast %broadcast_in_dim3A_440 : i32 to vector<16xi32>
      %gather3A_442 = tpu.vector_load_idx %arg7[%broadcast_in_dim3A_441] : memref<32xi32, #tpu.memory_space<vmem>>[vector<16xi32>], vector<16xi32>,
      %broadcast_in_dim3A_443 = arith.constant 20 : i32
      %broadcast_in_dim3A_444 = vector.broadcast %broadcast_in_dim3A_443 : i32 to vector<16xi32>
      %gather3A_445 = tpu.vector_load_idx %arg8[%broadcast_in_dim3A_444] : memref<32xi32, #tpu.memory_space<vmem>>[vector<16xi32>], vector<16xi32>,
      %broadcast_in_dim3A_446 = arith.constant 0.000000e+00 : f32
      %broadcast_in_dim3A_447 = vector.broadcast %broadcast_in_dim3A_446 : f32 to vector<16xf32>
      %add3A_448 = arith.constant 0 : i32
      %add3A_449 = vector.broadcast %add3A_448 : i32 to vector<16xi32>
      %add3A_450 = arith.addi %iota3A, %add3A_449 : vector<16xi32>
      %gather3A_451 = arith.constant 0 : i32
      %gather3A_452 = arith.constant 0 : i32
      %gather3A_453 = tpu.memref_slice %arg9[%cond3A, %gather3A_451, %gather3A_452] : memref<4x64x128xf32, #tpu.memory_space<vmem>> -> memref<1x64x128xf32, #tpu.memory_space<vmem>>
      %gather3A_454 = tpu.memref_squeeze %gather3A_453 : memref<1x64x128xf32, #tpu.memory_space<vmem>> -> memref<64x128xf32, #tpu.memory_space<vmem>>
      %gather3A_455 = tpu.vector_load_idx %gather3A_454[%add3A_450, %gather3A_442] : memref<64x128xf32, #tpu.memory_space<vmem>>[vector<16xi32>, vector<16xi32>], vector<16xf32>,
      %add3A_456 = arith.constant 16 : i32
      %add3A_457 = vector.broadcast %add3A_456 : i32 to vector<16xi32>
      %add3A_458 = arith.addi %iota3A, %add3A_457 : vector<16xi32>
      %gather3A_459 = arith.constant 0 : i32
      %gather3A_460 = arith.constant 0 : i32
      %gather3A_461 = tpu.memref_slice %arg9[%cond3A, %gather3A_459, %gather3A_460] : memref<4x64x128xf32, #tpu.memory_space<vmem>> -> memref<1x64x128xf32, #tpu.memory_space<vmem>>
      %gather3A_462 = tpu.memref_squeeze %gather3A_461 : memref<1x64x128xf32, #tpu.memory_space<vmem>> -> memref<64x128xf32, #tpu.memory_space<vmem>>
      %gather3A_463 = tpu.vector_load_idx %gather3A_462[%add3A_458, %gather3A_442] : memref<64x128xf32, #tpu.memory_space<vmem>>[vector<16xi32>, vector<16xi32>], vector<16xf32>,
      %add3A_464 = arith.constant 32 : i32
      %add3A_465 = vector.broadcast %add3A_464 : i32 to vector<16xi32>
      %add3A_466 = arith.addi %iota3A, %add3A_465 : vector<16xi32>
      %gather3A_467 = arith.constant 0 : i32
      %gather3A_468 = arith.constant 0 : i32
      %gather3A_469 = tpu.memref_slice %arg9[%cond3A, %gather3A_467, %gather3A_468] : memref<4x64x128xf32, #tpu.memory_space<vmem>> -> memref<1x64x128xf32, #tpu.memory_space<vmem>>
      %gather3A_470 = tpu.memref_squeeze %gather3A_469 : memref<1x64x128xf32, #tpu.memory_space<vmem>> -> memref<64x128xf32, #tpu.memory_space<vmem>>
      %gather3A_471 = tpu.vector_load_idx %gather3A_470[%add3A_466, %gather3A_442] : memref<64x128xf32, #tpu.memory_space<vmem>>[vector<16xi32>, vector<16xi32>], vector<16xf32>,
      %add3A_472 = arith.constant 48 : i32
      %add3A_473 = vector.broadcast %add3A_472 : i32 to vector<16xi32>
      %add3A_474 = arith.addi %iota3A, %add3A_473 : vector<16xi32>
      %gather3A_475 = arith.constant 0 : i32
      %gather3A_476 = arith.constant 0 : i32
      %gather3A_477 = tpu.memref_slice %arg9[%cond3A, %gather3A_475, %gather3A_476] : memref<4x64x128xf32, #tpu.memory_space<vmem>> -> memref<1x64x128xf32, #tpu.memory_space<vmem>>
      %gather3A_478 = tpu.memref_squeeze %gather3A_477 : memref<1x64x128xf32, #tpu.memory_space<vmem>> -> memref<64x128xf32, #tpu.memory_space<vmem>>
      %gather3A_479 = tpu.vector_load_idx %gather3A_478[%add3A_474, %gather3A_442] : memref<64x128xf32, #tpu.memory_space<vmem>>[vector<16xi32>, vector<16xi32>], vector<16xf32>,
      %eq3A_480 = arith.constant 0 : i32
      %eq3A_481 = vector.broadcast %eq3A_480 : i32 to vector<16xi32>
      %eq3A_482 = arith.cmpi eq, %gather3A_445, %eq3A_481 : vector<16xi32>
      %select_n3A_483 = arith.select %eq3A_482, %gather3A_455, %broadcast_in_dim3A_447 : vector<16xi1>, vector<16xf32>
      %add3A_484 = arith.addf %add3A_397, %select_n3A_483 : vector<16xf32>
      %eq3A_485 = arith.constant 0 : i32
      %eq3A_486 = vector.broadcast %eq3A_485 : i32 to vector<16xi32>
      %eq3A_487 = arith.cmpi eq, %gather3A_445, %eq3A_486 : vector<16xi32>
      %select_n3A_488 = arith.select %eq3A_487, %gather3A_463, %broadcast_in_dim3A_447 : vector<16xi1>, vector<16xf32>
      %add3A_489 = arith.addf %add3A_402, %select_n3A_488 : vector<16xf32>
      %eq3A_490 = arith.constant 0 : i32
      %eq3A_491 = vector.broadcast %eq3A_490 : i32 to vector<16xi32>
      %eq3A_492 = arith.cmpi eq, %gather3A_445, %eq3A_491 : vector<16xi32>
      %select_n3A_493 = arith.select %eq3A_492, %gather3A_471, %broadcast_in_dim3A_447 : vector<16xi1>, vector<16xf32>
      %add3A_494 = arith.addf %add3A_407, %select_n3A_493 : vector<16xf32>
      %eq3A_495 = arith.constant 0 : i32
      %eq3A_496 = vector.broadcast %eq3A_495 : i32 to vector<16xi32>
      %eq3A_497 = arith.cmpi eq, %gather3A_445, %eq3A_496 : vector<16xi32>
      %select_n3A_498 = arith.select %eq3A_497, %gather3A_479, %broadcast_in_dim3A_447 : vector<16xi1>, vector<16xf32>
      %add3A_499 = arith.addf %add3A_412, %select_n3A_498 : vector<16xf32>
      %dma_wait3A_500 = arith.constant 0 : i32
      %dma_wait3A_501 = arith.constant 0 : i32
      %dma_wait3A_502 = tpu.memref_slice %arg9[%cond3A_3, %dma_wait3A_500, %dma_wait3A_501] : memref<4x64x128xf32, #tpu.memory_space<vmem>> -> memref<1x64x128xf32, #tpu.memory_space<vmem>>
      %dma_wait3A_503 = tpu.memref_squeeze %dma_wait3A_502 : memref<1x64x128xf32, #tpu.memory_space<vmem>> -> memref<64x128xf32, #tpu.memory_space<vmem>>
      %dma_wait3A_504 = arith.constant 0 : i32
      %dma_wait3A_505 = tpu.memref_slice %arg4[%dma_wait3A_504, %multiple_of3A_241] : memref<64x1000000xf32, #tpu.memory_space<hbm>> -> memref<64x128xf32, #tpu.memory_space<hbm>>
      %dma_wait3A_506 = arith.constant 0 : i32
      %dma_wait3A_507 = arith.constant 0 : i32
      %dma_wait3A_508 = tpu.memref_slice %arg9[%cond3A_3, %dma_wait3A_506, %dma_wait3A_507] : memref<4x64x128xf32, #tpu.memory_space<vmem>> -> memref<1x64x128xf32, #tpu.memory_space<vmem>>
      %dma_wait3A_509 = tpu.memref_squeeze %dma_wait3A_508 : memref<1x64x128xf32, #tpu.memory_space<vmem>> -> memref<64x128xf32, #tpu.memory_space<vmem>>
      %dma_wait3A_510 = arith.constant 0 : i32
      %dma_wait3A_511 = tpu.memref_slice %arg4[%dma_wait3A_510, %multiple_of3A_241] : memref<64x1000000xf32, #tpu.memory_space<hbm>> -> memref<64x128xf32, #tpu.memory_space<hbm>>
      tpu.wait_dma2 semaphore(%arg11 : memref<!tpu.dma_semaphore, #tpu.memory_space<semaphore_mem>>) src(%dma_wait3A_511 : memref<64x128xf32, #tpu.memory_space<hbm>>) dst(%dma_wait3A_509 : memref<64x128xf32, #tpu.memory_space<vmem>>)
      %broadcast_in_dim3A_512 = arith.constant 21 : i32
      %broadcast_in_dim3A_513 = vector.broadcast %broadcast_in_dim3A_512 : i32 to vector<16xi32>
      %gather3A_514 = tpu.vector_load_idx %arg7[%broadcast_in_dim3A_513] : memref<32xi32, #tpu.memory_space<vmem>>[vector<16xi32>], vector<16xi32>,
      %broadcast_in_dim3A_515 = arith.constant 21 : i32
      %broadcast_in_dim3A_516 = vector.broadcast %broadcast_in_dim3A_515 : i32 to vector<16xi32>
      %gather3A_517 = tpu.vector_load_idx %arg8[%broadcast_in_dim3A_516] : memref<32xi32, #tpu.memory_space<vmem>>[vector<16xi32>], vector<16xi32>,
      %broadcast_in_dim3A_518 = arith.constant 0.000000e+00 : f32
      %broadcast_in_dim3A_519 = vector.broadcast %broadcast_in_dim3A_518 : f32 to vector<16xf32>
      %add3A_520 = arith.constant 0 : i32
      %add3A_521 = vector.broadcast %add3A_520 : i32 to vector<16xi32>
      %add3A_522 = arith.addi %iota3A, %add3A_521 : vector<16xi32>
      %gather3A_523 = arith.constant 0 : i32
      %gather3A_524 = arith.constant 0 : i32
      %gather3A_525 = tpu.memref_slice %arg9[%cond3A_3, %gather3A_523, %gather3A_524] : memref<4x64x128xf32, #tpu.memory_space<vmem>> -> memref<1x64x128xf32, #tpu.memory_space<vmem>>
      %gather3A_526 = tpu.memref_squeeze %gather3A_525 : memref<1x64x128xf32, #tpu.memory_space<vmem>> -> memref<64x128xf32, #tpu.memory_space<vmem>>
      %gather3A_527 = tpu.vector_load_idx %gather3A_526[%add3A_522, %gather3A_514] : memref<64x128xf32, #tpu.memory_space<vmem>>[vector<16xi32>, vector<16xi32>], vector<16xf32>,
      %add3A_528 = arith.constant 16 : i32
      %add3A_529 = vector.broadcast %add3A_528 : i32 to vector<16xi32>
      %add3A_530 = arith.addi %iota3A, %add3A_529 : vector<16xi32>
      %gather3A_531 = arith.constant 0 : i32
      %gather3A_532 = arith.constant 0 : i32
      %gather3A_533 = tpu.memref_slice %arg9[%cond3A_3, %gather3A_531, %gather3A_532] : memref<4x64x128xf32, #tpu.memory_space<vmem>> -> memref<1x64x128xf32, #tpu.memory_space<vmem>>
      %gather3A_534 = tpu.memref_squeeze %gather3A_533 : memref<1x64x128xf32, #tpu.memory_space<vmem>> -> memref<64x128xf32, #tpu.memory_space<vmem>>
      %gather3A_535 = tpu.vector_load_idx %gather3A_534[%add3A_530, %gather3A_514] : memref<64x128xf32, #tpu.memory_space<vmem>>[vector<16xi32>, vector<16xi32>], vector<16xf32>,
      %add3A_536 = arith.constant 32 : i32
      %add3A_537 = vector.broadcast %add3A_536 : i32 to vector<16xi32>
      %add3A_538 = arith.addi %iota3A, %add3A_537 : vector<16xi32>
      %gather3A_539 = arith.constant 0 : i32
      %gather3A_540 = arith.constant 0 : i32
      %gather3A_541 = tpu.memref_slice %arg9[%cond3A_3, %gather3A_539, %gather3A_540] : memref<4x64x128xf32, #tpu.memory_space<vmem>> -> memref<1x64x128xf32, #tpu.memory_space<vmem>>
      %gather3A_542 = tpu.memref_squeeze %gather3A_541 : memref<1x64x128xf32, #tpu.memory_space<vmem>> -> memref<64x128xf32, #tpu.memory_space<vmem>>
      %gather3A_543 = tpu.vector_load_idx %gather3A_542[%add3A_538, %gather3A_514] : memref<64x128xf32, #tpu.memory_space<vmem>>[vector<16xi32>, vector<16xi32>], vector<16xf32>,
      %add3A_544 = arith.constant 48 : i32
      %add3A_545 = vector.broadcast %add3A_544 : i32 to vector<16xi32>
      %add3A_546 = arith.addi %iota3A, %add3A_545 : vector<16xi32>
      %gather3A_547 = arith.constant 0 : i32
      %gather3A_548 = arith.constant 0 : i32
      %gather3A_549 = tpu.memref_slice %arg9[%cond3A_3, %gather3A_547, %gather3A_548] : memref<4x64x128xf32, #tpu.memory_space<vmem>> -> memref<1x64x128xf32, #tpu.memory_space<vmem>>
      %gather3A_550 = tpu.memref_squeeze %gather3A_549 : memref<1x64x128xf32, #tpu.memory_space<vmem>> -> memref<64x128xf32, #tpu.memory_space<vmem>>
      %gather3A_551 = tpu.vector_load_idx %gather3A_550[%add3A_546, %gather3A_514] : memref<64x128xf32, #tpu.memory_space<vmem>>[vector<16xi32>, vector<16xi32>], vector<16xf32>,
      %eq3A_552 = arith.constant 0 : i32
      %eq3A_553 = vector.broadcast %eq3A_552 : i32 to vector<16xi32>
      %eq3A_554 = arith.cmpi eq, %gather3A_517, %eq3A_553 : vector<16xi32>
      %select_n3A_555 = arith.select %eq3A_554, %gather3A_527, %broadcast_in_dim3A_519 : vector<16xi1>, vector<16xf32>
      %add3A_556 = arith.addf %add3A_484, %select_n3A_555 : vector<16xf32>
      %eq3A_557 = arith.constant 0 : i32
      %eq3A_558 = vector.broadcast %eq3A_557 : i32 to vector<16xi32>
      %eq3A_559 = arith.cmpi eq, %gather3A_517, %eq3A_558 : vector<16xi32>
      %select_n3A_560 = arith.select %eq3A_559, %gather3A_535, %broadcast_in_dim3A_519 : vector<16xi1>, vector<16xf32>
      %add3A_561 = arith.addf %add3A_489, %select_n3A_560 : vector<16xf32>
      %eq3A_562 = arith.constant 0 : i32
      %eq3A_563 = vector.broadcast %eq3A_562 : i32 to vector<16xi32>
      %eq3A_564 = arith.cmpi eq, %gather3A_517, %eq3A_563 : vector<16xi32>
      %select_n3A_565 = arith.select %eq3A_564, %gather3A_543, %broadcast_in_dim3A_519 : vector<16xi1>, vector<16xf32>
      %add3A_566 = arith.addf %add3A_494, %select_n3A_565 : vector<16xf32>
      %eq3A_567 = arith.constant 0 : i32
      %eq3A_568 = vector.broadcast %eq3A_567 : i32 to vector<16xi32>
      %eq3A_569 = arith.cmpi eq, %gather3A_517, %eq3A_568 : vector<16xi32>
      %select_n3A_570 = arith.select %eq3A_569, %gather3A_551, %broadcast_in_dim3A_519 : vector<16xi1>, vector<16xf32>
      %add3A_571 = arith.addf %add3A_499, %select_n3A_570 : vector<16xf32>
      %dma_wait3A_572 = arith.constant 0 : i32
      %dma_wait3A_573 = arith.constant 0 : i32
      %dma_wait3A_574 = tpu.memref_slice %arg9[%cond3A_4, %dma_wait3A_572, %dma_wait3A_573] : memref<4x64x128xf32, #tpu.memory_space<vmem>> -> memref<1x64x128xf32, #tpu.memory_space<vmem>>
      %dma_wait3A_575 = tpu.memref_squeeze %dma_wait3A_574 : memref<1x64x128xf32, #tpu.memory_space<vmem>> -> memref<64x128xf32, #tpu.memory_space<vmem>>
      %dma_wait3A_576 = arith.constant 0 : i32
      %dma_wait3A_577 = tpu.memref_slice %arg4[%dma_wait3A_576, %multiple_of3A_328] : memref<64x1000000xf32, #tpu.memory_space<hbm>> -> memref<64x128xf32, #tpu.memory_space<hbm>>
      %dma_wait3A_578 = arith.constant 0 : i32
      %dma_wait3A_579 = arith.constant 0 : i32
      %dma_wait3A_580 = tpu.memref_slice %arg9[%cond3A_4, %dma_wait3A_578, %dma_wait3A_579] : memref<4x64x128xf32, #tpu.memory_space<vmem>> -> memref<1x64x128xf32, #tpu.memory_space<vmem>>
      %dma_wait3A_581 = tpu.memref_squeeze %dma_wait3A_580 : memref<1x64x128xf32, #tpu.memory_space<vmem>> -> memref<64x128xf32, #tpu.memory_space<vmem>>
      %dma_wait3A_582 = arith.constant 0 : i32
      %dma_wait3A_583 = tpu.memref_slice %arg4[%dma_wait3A_582, %multiple_of3A_328] : memref<64x1000000xf32, #tpu.memory_space<hbm>> -> memref<64x128xf32, #tpu.memory_space<hbm>>
      tpu.wait_dma2 semaphore(%arg11 : memref<!tpu.dma_semaphore, #tpu.memory_space<semaphore_mem>>) src(%dma_wait3A_583 : memref<64x128xf32, #tpu.memory_space<hbm>>) dst(%dma_wait3A_581 : memref<64x128xf32, #tpu.memory_space<vmem>>)
      %broadcast_in_dim3A_584 = arith.constant 22 : i32
      %broadcast_in_dim3A_585 = vector.broadcast %broadcast_in_dim3A_584 : i32 to vector<16xi32>
      %gather3A_586 = tpu.vector_load_idx %arg7[%broadcast_in_dim3A_585] : memref<32xi32, #tpu.memory_space<vmem>>[vector<16xi32>], vector<16xi32>,
      %broadcast_in_dim3A_587 = arith.constant 22 : i32
      %broadcast_in_dim3A_588 = vector.broadcast %broadcast_in_dim3A_587 : i32 to vector<16xi32>
      %gather3A_589 = tpu.vector_load_idx %arg8[%broadcast_in_dim3A_588] : memref<32xi32, #tpu.memory_space<vmem>>[vector<16xi32>], vector<16xi32>,
      %broadcast_in_dim3A_590 = arith.constant 0.000000e+00 : f32
      %broadcast_in_dim3A_591 = vector.broadcast %broadcast_in_dim3A_590 : f32 to vector<16xf32>
      %add3A_592 = arith.constant 0 : i32
      %add3A_593 = vector.broadcast %add3A_592 : i32 to vector<16xi32>
      %add3A_594 = arith.addi %iota3A, %add3A_593 : vector<16xi32>
      %gather3A_595 = arith.constant 0 : i32
      %gather3A_596 = arith.constant 0 : i32
      %gather3A_597 = tpu.memref_slice %arg9[%cond3A_4, %gather3A_595, %gather3A_596] : memref<4x64x128xf32, #tpu.memory_space<vmem>> -> memref<1x64x128xf32, #tpu.memory_space<vmem>>
      %gather3A_598 = tpu.memref_squeeze %gather3A_597 : memref<1x64x128xf32, #tpu.memory_space<vmem>> -> memref<64x128xf32, #tpu.memory_space<vmem>>
      %gather3A_599 = tpu.vector_load_idx %gather3A_598[%add3A_594, %gather3A_586] : memref<64x128xf32, #tpu.memory_space<vmem>>[vector<16xi32>, vector<16xi32>], vector<16xf32>,
      %add3A_600 = arith.constant 16 : i32
      %add3A_601 = vector.broadcast %add3A_600 : i32 to vector<16xi32>
      %add3A_602 = arith.addi %iota3A, %add3A_601 : vector<16xi32>
      %gather3A_603 = arith.constant 0 : i32
      %gather3A_604 = arith.constant 0 : i32
      %gather3A_605 = tpu.memref_slice %arg9[%cond3A_4, %gather3A_603, %gather3A_604] : memref<4x64x128xf32, #tpu.memory_space<vmem>> -> memref<1x64x128xf32, #tpu.memory_space<vmem>>
      %gather3A_606 = tpu.memref_squeeze %gather3A_605 : memref<1x64x128xf32, #tpu.memory_space<vmem>> -> memref<64x128xf32, #tpu.memory_space<vmem>>
      %gather3A_607 = tpu.vector_load_idx %gather3A_606[%add3A_602, %gather3A_586] : memref<64x128xf32, #tpu.memory_space<vmem>>[vector<16xi32>, vector<16xi32>], vector<16xf32>,
      %add3A_608 = arith.constant 32 : i32
      %add3A_609 = vector.broadcast %add3A_608 : i32 to vector<16xi32>
      %add3A_610 = arith.addi %iota3A, %add3A_609 : vector<16xi32>
      %gather3A_611 = arith.constant 0 : i32
      %gather3A_612 = arith.constant 0 : i32
      %gather3A_613 = tpu.memref_slice %arg9[%cond3A_4, %gather3A_611, %gather3A_612] : memref<4x64x128xf32, #tpu.memory_space<vmem>> -> memref<1x64x128xf32, #tpu.memory_space<vmem>>
      %gather3A_614 = tpu.memref_squeeze %gather3A_613 : memref<1x64x128xf32, #tpu.memory_space<vmem>> -> memref<64x128xf32, #tpu.memory_space<vmem>>
      %gather3A_615 = tpu.vector_load_idx %gather3A_614[%add3A_610, %gather3A_586] : memref<64x128xf32, #tpu.memory_space<vmem>>[vector<16xi32>, vector<16xi32>], vector<16xf32>,
      %add3A_616 = arith.constant 48 : i32
      %add3A_617 = vector.broadcast %add3A_616 : i32 to vector<16xi32>
      %add3A_618 = arith.addi %iota3A, %add3A_617 : vector<16xi32>
      %gather3A_619 = arith.constant 0 : i32
      %gather3A_620 = arith.constant 0 : i32
      %gather3A_621 = tpu.memref_slice %arg9[%cond3A_4, %gather3A_619, %gather3A_620] : memref<4x64x128xf32, #tpu.memory_space<vmem>> -> memref<1x64x128xf32, #tpu.memory_space<vmem>>
      %gather3A_622 = tpu.memref_squeeze %gather3A_621 : memref<1x64x128xf32, #tpu.memory_space<vmem>> -> memref<64x128xf32, #tpu.memory_space<vmem>>
      %gather3A_623 = tpu.vector_load_idx %gather3A_622[%add3A_618, %gather3A_586] : memref<64x128xf32, #tpu.memory_space<vmem>>[vector<16xi32>, vector<16xi32>], vector<16xf32>,
      %eq3A_624 = arith.constant 0 : i32
      %eq3A_625 = vector.broadcast %eq3A_624 : i32 to vector<16xi32>
      %eq3A_626 = arith.cmpi eq, %gather3A_589, %eq3A_625 : vector<16xi32>
      %select_n3A_627 = arith.select %eq3A_626, %gather3A_599, %broadcast_in_dim3A_591 : vector<16xi1>, vector<16xf32>
      %add3A_628 = arith.addf %add3A_556, %select_n3A_627 : vector<16xf32>
      %eq3A_629 = arith.constant 0 : i32
      %eq3A_630 = vector.broadcast %eq3A_629 : i32 to vector<16xi32>
      %eq3A_631 = arith.cmpi eq, %gather3A_589, %eq3A_630 : vector<16xi32>
      %select_n3A_632 = arith.select %eq3A_631, %gather3A_607, %broadcast_in_dim3A_591 : vector<16xi1>, vector<16xf32>
      %add3A_633 = arith.addf %add3A_561, %select_n3A_632 : vector<16xf32>
      %eq3A_634 = arith.constant 0 : i32
      %eq3A_635 = vector.broadcast %eq3A_634 : i32 to vector<16xi32>
      %eq3A_636 = arith.cmpi eq, %gather3A_589, %eq3A_635 : vector<16xi32>
      %select_n3A_637 = arith.select %eq3A_636, %gather3A_615, %broadcast_in_dim3A_591 : vector<16xi1>, vector<16xf32>
      %add3A_638 = arith.addf %add3A_566, %select_n3A_637 : vector<16xf32>
      %eq3A_639 = arith.constant 0 : i32
      %eq3A_640 = vector.broadcast %eq3A_639 : i32 to vector<16xi32>
      %eq3A_641 = arith.cmpi eq, %gather3A_589, %eq3A_640 : vector<16xi32>
      %select_n3A_642 = arith.select %eq3A_641, %gather3A_623, %broadcast_in_dim3A_591 : vector<16xi1>, vector<16xf32>
      %add3A_643 = arith.addf %add3A_571, %select_n3A_642 : vector<16xf32>
      %dma_wait3A_644 = arith.constant 0 : i32
      %dma_wait3A_645 = arith.constant 0 : i32
      %dma_wait3A_646 = tpu.memref_slice %arg9[%cond3A_5, %dma_wait3A_644, %dma_wait3A_645] : memref<4x64x128xf32, #tpu.memory_space<vmem>> -> memref<1x64x128xf32, #tpu.memory_space<vmem>>
      %dma_wait3A_647 = tpu.memref_squeeze %dma_wait3A_646 : memref<1x64x128xf32, #tpu.memory_space<vmem>> -> memref<64x128xf32, #tpu.memory_space<vmem>>
      %dma_wait3A_648 = arith.constant 0 : i32
      %dma_wait3A_649 = tpu.memref_slice %arg4[%dma_wait3A_648, %multiple_of3A_415] : memref<64x1000000xf32, #tpu.memory_space<hbm>> -> memref<64x128xf32, #tpu.memory_space<hbm>>
      %dma_wait3A_650 = arith.constant 0 : i32
      %dma_wait3A_651 = arith.constant 0 : i32
      %dma_wait3A_652 = tpu.memref_slice %arg9[%cond3A_5, %dma_wait3A_650, %dma_wait3A_651] : memref<4x64x128xf32, #tpu.memory_space<vmem>> -> memref<1x64x128xf32, #tpu.memory_space<vmem>>
      %dma_wait3A_653 = tpu.memref_squeeze %dma_wait3A_652 : memref<1x64x128xf32, #tpu.memory_space<vmem>> -> memref<64x128xf32, #tpu.memory_space<vmem>>
      %dma_wait3A_654 = arith.constant 0 : i32
      %dma_wait3A_655 = tpu.memref_slice %arg4[%dma_wait3A_654, %multiple_of3A_415] : memref<64x1000000xf32, #tpu.memory_space<hbm>> -> memref<64x128xf32, #tpu.memory_space<hbm>>
      tpu.wait_dma2 semaphore(%arg11 : memref<!tpu.dma_semaphore, #tpu.memory_space<semaphore_mem>>) src(%dma_wait3A_655 : memref<64x128xf32, #tpu.memory_space<hbm>>) dst(%dma_wait3A_653 : memref<64x128xf32, #tpu.memory_space<vmem>>)
      %broadcast_in_dim3A_656 = arith.constant 23 : i32
      %broadcast_in_dim3A_657 = vector.broadcast %broadcast_in_dim3A_656 : i32 to vector<16xi32>
      %gather3A_658 = tpu.vector_load_idx %arg7[%broadcast_in_dim3A_657] : memref<32xi32, #tpu.memory_space<vmem>>[vector<16xi32>], vector<16xi32>,
      %broadcast_in_dim3A_659 = arith.constant 23 : i32
      %broadcast_in_dim3A_660 = vector.broadcast %broadcast_in_dim3A_659 : i32 to vector<16xi32>
      %gather3A_661 = tpu.vector_load_idx %arg8[%broadcast_in_dim3A_660] : memref<32xi32, #tpu.memory_space<vmem>>[vector<16xi32>], vector<16xi32>,
      %broadcast_in_dim3A_662 = arith.constant 0.000000e+00 : f32
      %broadcast_in_dim3A_663 = vector.broadcast %broadcast_in_dim3A_662 : f32 to vector<16xf32>
      %add3A_664 = arith.constant 0 : i32
      %add3A_665 = vector.broadcast %add3A_664 : i32 to vector<16xi32>
      %add3A_666 = arith.addi %iota3A, %add3A_665 : vector<16xi32>
      %gather3A_667 = arith.constant 0 : i32
      %gather3A_668 = arith.constant 0 : i32
      %gather3A_669 = tpu.memref_slice %arg9[%cond3A_5, %gather3A_667, %gather3A_668] : memref<4x64x128xf32, #tpu.memory_space<vmem>> -> memref<1x64x128xf32, #tpu.memory_space<vmem>>
      %gather3A_670 = tpu.memref_squeeze %gather3A_669 : memref<1x64x128xf32, #tpu.memory_space<vmem>> -> memref<64x128xf32, #tpu.memory_space<vmem>>
      %gather3A_671 = tpu.vector_load_idx %gather3A_670[%add3A_666, %gather3A_658] : memref<64x128xf32, #tpu.memory_space<vmem>>[vector<16xi32>, vector<16xi32>], vector<16xf32>,
      %add3A_672 = arith.constant 16 : i32
      %add3A_673 = vector.broadcast %add3A_672 : i32 to vector<16xi32>
      %add3A_674 = arith.addi %iota3A, %add3A_673 : vector<16xi32>
      %gather3A_675 = arith.constant 0 : i32
      %gather3A_676 = arith.constant 0 : i32
      %gather3A_677 = tpu.memref_slice %arg9[%cond3A_5, %gather3A_675, %gather3A_676] : memref<4x64x128xf32, #tpu.memory_space<vmem>> -> memref<1x64x128xf32, #tpu.memory_space<vmem>>
      %gather3A_678 = tpu.memref_squeeze %gather3A_677 : memref<1x64x128xf32, #tpu.memory_space<vmem>> -> memref<64x128xf32, #tpu.memory_space<vmem>>
      %gather3A_679 = tpu.vector_load_idx %gather3A_678[%add3A_674, %gather3A_658] : memref<64x128xf32, #tpu.memory_space<vmem>>[vector<16xi32>, vector<16xi32>], vector<16xf32>,
      %add3A_680 = arith.constant 32 : i32
      %add3A_681 = vector.broadcast %add3A_680 : i32 to vector<16xi32>
      %add3A_682 = arith.addi %iota3A, %add3A_681 : vector<16xi32>
      %gather3A_683 = arith.constant 0 : i32
      %gather3A_684 = arith.constant 0 : i32
      %gather3A_685 = tpu.memref_slice %arg9[%cond3A_5, %gather3A_683, %gather3A_684] : memref<4x64x128xf32, #tpu.memory_space<vmem>> -> memref<1x64x128xf32, #tpu.memory_space<vmem>>
      %gather3A_686 = tpu.memref_squeeze %gather3A_685 : memref<1x64x128xf32, #tpu.memory_space<vmem>> -> memref<64x128xf32, #tpu.memory_space<vmem>>
      %gather3A_687 = tpu.vector_load_idx %gather3A_686[%add3A_682, %gather3A_658] : memref<64x128xf32, #tpu.memory_space<vmem>>[vector<16xi32>, vector<16xi32>], vector<16xf32>,
      %add3A_688 = arith.constant 48 : i32
      %add3A_689 = vector.broadcast %add3A_688 : i32 to vector<16xi32>
      %add3A_690 = arith.addi %iota3A, %add3A_689 : vector<16xi32>
      %gather3A_691 = arith.constant 0 : i32
      %gather3A_692 = arith.constant 0 : i32
      %gather3A_693 = tpu.memref_slice %arg9[%cond3A_5, %gather3A_691, %gather3A_692] : memref<4x64x128xf32, #tpu.memory_space<vmem>> -> memref<1x64x128xf32, #tpu.memory_space<vmem>>
      %gather3A_694 = tpu.memref_squeeze %gather3A_693 : memref<1x64x128xf32, #tpu.memory_space<vmem>> -> memref<64x128xf32, #tpu.memory_space<vmem>>
      %gather3A_695 = tpu.vector_load_idx %gather3A_694[%add3A_690, %gather3A_658] : memref<64x128xf32, #tpu.memory_space<vmem>>[vector<16xi32>, vector<16xi32>], vector<16xf32>,
      %eq3A_696 = arith.constant 0 : i32
      %eq3A_697 = vector.broadcast %eq3A_696 : i32 to vector<16xi32>
      %eq3A_698 = arith.cmpi eq, %gather3A_661, %eq3A_697 : vector<16xi32>
      %select_n3A_699 = arith.select %eq3A_698, %gather3A_671, %broadcast_in_dim3A_663 : vector<16xi1>, vector<16xf32>
      %add3A_700 = arith.addf %add3A_628, %select_n3A_699 : vector<16xf32>
      %eq3A_701 = arith.constant 0 : i32
      %eq3A_702 = vector.broadcast %eq3A_701 : i32 to vector<16xi32>
      %eq3A_703 = arith.cmpi eq, %gather3A_661, %eq3A_702 : vector<16xi32>
      %select_n3A_704 = arith.select %eq3A_703, %gather3A_679, %broadcast_in_dim3A_663 : vector<16xi1>, vector<16xf32>
      %add3A_705 = arith.addf %add3A_633, %select_n3A_704 : vector<16xf32>
      %eq3A_706 = arith.constant 0 : i32
      %eq3A_707 = vector.broadcast %eq3A_706 : i32 to vector<16xi32>
      %eq3A_708 = arith.cmpi eq, %gather3A_661, %eq3A_707 : vector<16xi32>
      %select_n3A_709 = arith.select %eq3A_708, %gather3A_687, %broadcast_in_dim3A_663 : vector<16xi1>, vector<16xf32>
      %add3A_710 = arith.addf %add3A_638, %select_n3A_709 : vector<16xf32>
      %eq3A_711 = arith.constant 0 : i32
      %eq3A_712 = vector.broadcast %eq3A_711 : i32 to vector<16xi32>
      %eq3A_713 = arith.cmpi eq, %gather3A_661, %eq3A_712 : vector<16xi32>
      %select_n3A_714 = arith.select %eq3A_713, %gather3A_695, %broadcast_in_dim3A_663 : vector<16xi1>, vector<16xf32>
      %add3A_715 = arith.addf %add3A_643, %select_n3A_714 : vector<16xf32>
      %swap3A = arith.constant 0 : index
      %swap3A_716 = tpu.vector_load %arg10[%swap3A] {strides = array<i32>} : memref<64xf32, #tpu.memory_space<vmem>>, vector<16xf32>,
      tpu.vector_store %arg10[%swap3A], %add3A_700 {strides = array<i32>} : memref<64xf32, #tpu.memory_space<vmem>>, vector<16xf32>,
      %swap3A_717 = arith.constant 16 : index
      %swap3A_718 = tpu.vector_load %arg10[%swap3A_717] {strides = array<i32>} : memref<64xf32, #tpu.memory_space<vmem>>, vector<16xf32>,
      tpu.vector_store %arg10[%swap3A_717], %add3A_705 {strides = array<i32>} : memref<64xf32, #tpu.memory_space<vmem>>, vector<16xf32>,
      %swap3A_719 = arith.constant 32 : index
      %swap3A_720 = tpu.vector_load %arg10[%swap3A_719] {strides = array<i32>} : memref<64xf32, #tpu.memory_space<vmem>>, vector<16xf32>,
      tpu.vector_store %arg10[%swap3A_719], %add3A_710 {strides = array<i32>} : memref<64xf32, #tpu.memory_space<vmem>>, vector<16xf32>,
      %swap3A_721 = arith.constant 48 : index
      %swap3A_722 = tpu.vector_load %arg10[%swap3A_721] {strides = array<i32>} : memref<64xf32, #tpu.memory_space<vmem>>, vector<16xf32>,
      tpu.vector_store %arg10[%swap3A_721], %add3A_715 {strides = array<i32>} : memref<64xf32, #tpu.memory_space<vmem>>, vector<16xf32>,
      "tpu.region"() ({
        %run_scoped3A = tpu.sem_alloc : memref<!tpu.dma_semaphore, #tpu.memory_space<semaphore_mem>>
        %dma_start3A_723 = arith.constant 0 : i32
        %dma_start3A_724 = tpu.memref_slice %arg5[%add3A, %dma_start3A_723] : memref<32x64xf32, #tpu.memory_space<hbm>> -> memref<1x64xf32, #tpu.memory_space<hbm>>
        %dma_start3A_725 = tpu.memref_squeeze %dma_start3A_724 : memref<1x64xf32, #tpu.memory_space<hbm>> -> memref<64xf32, #tpu.memory_space<hbm>>
        %dma_start3A_726 = arith.constant 0 : i32
        %dma_start3A_727 = tpu.memref_slice %arg5[%add3A, %dma_start3A_726] : memref<32x64xf32, #tpu.memory_space<hbm>> -> memref<1x64xf32, #tpu.memory_space<hbm>>
        %dma_start3A_728 = tpu.memref_squeeze %dma_start3A_727 : memref<1x64xf32, #tpu.memory_space<hbm>> -> memref<64xf32, #tpu.memory_space<hbm>>
        tpu.enqueue_dma source(%arg10 : memref<64xf32, #tpu.memory_space<vmem>>) target(%dma_start3A_728 : memref<64xf32, #tpu.memory_space<hbm>>) target_semaphore(%run_scoped3A : memref<!tpu.dma_semaphore, #tpu.memory_space<semaphore_mem>>)
        %dma_wait3A_729 = arith.constant 0 : i32
        %dma_wait3A_730 = tpu.memref_slice %arg5[%add3A, %dma_wait3A_729] : memref<32x64xf32, #tpu.memory_space<hbm>> -> memref<1x64xf32, #tpu.memory_space<hbm>>
        %dma_wait3A_731 = tpu.memref_squeeze %dma_wait3A_730 : memref<1x64xf32, #tpu.memory_space<hbm>> -> memref<64xf32, #tpu.memory_space<hbm>>
        %dma_wait3A_732 = arith.constant 0 : i32
        %dma_wait3A_733 = tpu.memref_slice %arg5[%add3A, %dma_wait3A_732] : memref<32x64xf32, #tpu.memory_space<hbm>> -> memref<1x64xf32, #tpu.memory_space<hbm>>
        %dma_wait3A_734 = tpu.memref_squeeze %dma_wait3A_733 : memref<1x64xf32, #tpu.memory_space<hbm>> -> memref<64xf32, #tpu.memory_space<hbm>>
        tpu.wait_dma2 semaphore(%run_scoped3A : memref<!tpu.dma_semaphore, #tpu.memory_space<semaphore_mem>>) src(%arg10 : memref<64xf32, #tpu.memory_space<vmem>>) dst(%dma_wait3A_734 : memref<64xf32, #tpu.memory_space<hbm>>)
        tpu.yield
      }) : () -> ()
    } else {
    }
    %ge3A = arith.constant 13 : i32
    %ge3A_8 = arith.cmpi sge, %arg1, %ge3A : i32
    %and3A = arith.andi %eq3A_0, %ge3A_8 : i1
    %convert_element_type3A_9 = arith.extui %and3A : i1 to i32
    %cond3A_10 = arith.constant 0 : i32
    %cond3A_11 = arith.constant 0 : i32
    %cond3A_12 = arith.cmpi ne, %convert_element_type3A_9, %cond3A_11 : i32
    scf.if %cond3A_12 {
      "tpu.region"() ({
        %run_scoped3A = tpu.sem_alloc : memref<!tpu.dma_semaphore, #tpu.memory_space<semaphore_mem>>
        %dma_start3A = arith.constant 192 : i32
        %dma_start3A_94 = tpu.memref_slice %arg2[%dma_start3A] : memref<768xi32, #tpu.memory_space<hbm>> -> memref<16xi32, #tpu.memory_space<hbm>>
        %dma_start3A_95 = arith.constant 192 : i32
        %dma_start3A_96 = tpu.memref_slice %arg2[%dma_start3A_95] : memref<768xi32, #tpu.memory_space<hbm>> -> memref<16xi32, #tpu.memory_space<hbm>>
        tpu.enqueue_dma source(%dma_start3A_96 : memref<16xi32, #tpu.memory_space<hbm>>) target(%arg6 : memref<16xi32, #tpu.memory_space<vmem>>) target_semaphore(%run_scoped3A : memref<!tpu.dma_semaphore, #tpu.memory_space<semaphore_mem>>)
        %dma_wait3A = arith.constant 192 : i32
        %dma_wait3A_97 = tpu.memref_slice %arg2[%dma_wait3A] : memref<768xi32, #tpu.memory_space<hbm>> -> memref<16xi32, #tpu.memory_space<hbm>>
        %dma_wait3A_98 = arith.constant 192 : i32
        %dma_wait3A_99 = tpu.memref_slice %arg2[%dma_wait3A_98] : memref<768xi32, #tpu.memory_space<hbm>> -> memref<16xi32, #tpu.memory_space<hbm>>
        tpu.wait_dma2 semaphore(%run_scoped3A : memref<!tpu.dma_semaphore, #tpu.memory_space<semaphore_mem>>) src(%dma_wait3A_99 : memref<16xi32, #tpu.memory_space<hbm>>) dst(%arg6 : memref<16xi32, #tpu.memory_space<vmem>>)
        tpu.yield
      }) : () -> ()
      "tpu.region"() ({
        %run_scoped3A = tpu.sem_alloc : memref<!tpu.dma_semaphore, #tpu.memory_space<semaphore_mem>>
        %dma_start3A = arith.constant 16 : i32
        %dma_start3A_94 = tpu.memref_slice %arg7[%dma_start3A] : memref<32xi32, #tpu.memory_space<vmem>> -> memref<16xi32, #tpu.memory_space<vmem>>
        %dma_start3A_95 = arith.constant 448 : i32
        %dma_start3A_96 = tpu.memref_slice %arg2[%dma_start3A_95] : memref<768xi32, #tpu.memory_space<hbm>> -> memref<16xi32, #tpu.memory_space<hbm>>
        %dma_start3A_97 = arith.constant 16 : i32
        %dma_start3A_98 = tpu.memref_slice %arg7[%dma_start3A_97] : memref<32xi32, #tpu.memory_space<vmem>> -> memref<16xi32, #tpu.memory_space<vmem>>
        %dma_start3A_99 = arith.constant 448 : i32
        %dma_start3A_100 = tpu.memref_slice %arg2[%dma_start3A_99] : memref<768xi32, #tpu.memory_space<hbm>> -> memref<16xi32, #tpu.memory_space<hbm>>
        tpu.enqueue_dma source(%dma_start3A_100 : memref<16xi32, #tpu.memory_space<hbm>>) target(%dma_start3A_98 : memref<16xi32, #tpu.memory_space<vmem>>) target_semaphore(%run_scoped3A : memref<!tpu.dma_semaphore, #tpu.memory_space<semaphore_mem>>)
        %dma_wait3A = arith.constant 16 : i32
        %dma_wait3A_101 = tpu.memref_slice %arg7[%dma_wait3A] : memref<32xi32, #tpu.memory_space<vmem>> -> memref<16xi32, #tpu.memory_space<vmem>>
        %dma_wait3A_102 = arith.constant 448 : i32
        %dma_wait3A_103 = tpu.memref_slice %arg2[%dma_wait3A_102] : memref<768xi32, #tpu.memory_space<hbm>> -> memref<16xi32, #tpu.memory_space<hbm>>
        %dma_wait3A_104 = arith.constant 16 : i32
        %dma_wait3A_105 = tpu.memref_slice %arg7[%dma_wait3A_104] : memref<32xi32, #tpu.memory_space<vmem>> -> memref<16xi32, #tpu.memory_space<vmem>>
        %dma_wait3A_106 = arith.constant 448 : i32
        %dma_wait3A_107 = tpu.memref_slice %arg2[%dma_wait3A_106] : memref<768xi32, #tpu.memory_space<hbm>> -> memref<16xi32, #tpu.memory_space<hbm>>
        tpu.wait_dma2 semaphore(%run_scoped3A : memref<!tpu.dma_semaphore, #tpu.memory_space<semaphore_mem>>) src(%dma_wait3A_107 : memref<16xi32, #tpu.memory_space<hbm>>) dst(%dma_wait3A_105 : memref<16xi32, #tpu.memory_space<vmem>>)
        tpu.yield
      }) : () -> ()
      %get3A = arith.constant 0 : index
      %get3A_13 = tpu.vector_load %arg6[%get3A] {strides = array<i32>} : memref<16xi32, #tpu.memory_space<vmem>>, vector<16xi32>,
      %eq3A_14 = arith.constant 13 : i32
      %eq3A_15 = arith.cmpi eq, %arg1, %eq3A_14 : i32
      %eq3A_16 = arith.constant 14 : i32
      %eq3A_17 = arith.cmpi eq, %arg1, %eq3A_16 : i32
      %jit3A = arith.constant 8 : i32
      %jit3A_18 = arith.constant 9 : i32
      %select_n3A = arith.select %eq3A_17, %jit3A, %jit3A_18 : i32
      %jit3A_19 = arith.constant 10 : i32
      %select_n3A_20 = arith.select %eq3A_15, %jit3A_19, %select_n3A : i32
      %broadcast_in_dim3A = arith.constant 0 : i32
      %broadcast_in_dim3A_21 = vector.broadcast %broadcast_in_dim3A : i32 to vector<16xi32>
      %add3A_22 = vector.broadcast %select_n3A_20 : i32 to vector<16xi32>
      %add3A_23 = arith.addi %broadcast_in_dim3A_21, %add3A_22 : vector<16xi32>
      %swap3A = arith.constant 0 : index
      %swap3A_24 = tpu.vector_load %arg7[%swap3A] {strides = array<i32>} : memref<32xi32, #tpu.memory_space<vmem>>, vector<16xi32>,
      tpu.vector_store %arg7[%swap3A], %get3A_13 {strides = array<i32>} : memref<32xi32, #tpu.memory_space<vmem>>, vector<16xi32>,
      %gather3A = tpu.vector_load_idx %arg7[%add3A_23] : memref<32xi32, #tpu.memory_space<vmem>>[vector<16xi32>], vector<16xi32>,
      %slice3A = vector.extract_strided_slice %gather3A {offsets = [0], sizes = [1], strides = [1]} : vector<16xi32> to vector<1xi32>
      %squeeze3A = vector.extract %slice3A[0] : i32 from vector<1xi32>
      %broadcast_in_dim3A_25 = arith.constant 16 : i32
      %broadcast_in_dim3A_26 = vector.broadcast %broadcast_in_dim3A_25 : i32 to vector<16xi32>
      %add3A_27 = vector.broadcast %select_n3A_20 : i32 to vector<16xi32>
      %add3A_28 = arith.addi %broadcast_in_dim3A_26, %add3A_27 : vector<16xi32>
      %gather3A_29 = tpu.vector_load_idx %arg7[%add3A_28] : memref<32xi32, #tpu.memory_space<vmem>>[vector<16xi32>], vector<16xi32>,
      %eq3A_30 = arith.constant 13 : i32
      %eq3A_31 = arith.cmpi eq, %arg1, %eq3A_30 : i32
      %convert_element_type3A_32 = arith.extui %eq3A_31 : i1 to i32
      %cond3A_33 = arith.constant 0 : i32
      %cond3A_34 = arith.cmpi ne, %convert_element_type3A_32, %cond3A_33 : i32
      scf.if %cond3A_34 {
        %multiple_of3A = tpu.assume_multiple %squeeze3A, 128 : i32
        "tpu.region"() ({
          %run_scoped3A = tpu.sem_alloc : memref<!tpu.dma_semaphore, #tpu.memory_space<semaphore_mem>>
          %dma_start3A = arith.constant 0 : i32
          %dma_start3A_94 = arith.constant 0 : i32
          %dma_start3A_95 = tpu.memref_slice %arg9[%cond3A_10, %dma_start3A, %dma_start3A_94] : memref<4x64x128xf32, #tpu.memory_space<vmem>> -> memref<1x64x128xf32, #tpu.memory_space<vmem>>
          %dma_start3A_96 = tpu.memref_squeeze %dma_start3A_95 : memref<1x64x128xf32, #tpu.memory_space<vmem>> -> memref<64x128xf32, #tpu.memory_space<vmem>>
          %dma_start3A_97 = arith.constant 0 : i32
          %dma_start3A_98 = tpu.memref_slice %arg3[%dma_start3A_97, %multiple_of3A] : memref<64x100000xf32, #tpu.memory_space<hbm>> -> memref<64x128xf32, #tpu.memory_space<hbm>>
          %dma_start3A_99 = arith.constant 0 : i32
          %dma_start3A_100 = arith.constant 0 : i32
          %dma_start3A_101 = tpu.memref_slice %arg9[%cond3A_10, %dma_start3A_99, %dma_start3A_100] : memref<4x64x128xf32, #tpu.memory_space<vmem>> -> memref<1x64x128xf32, #tpu.memory_space<vmem>>
          %dma_start3A_102 = tpu.memref_squeeze %dma_start3A_101 : memref<1x64x128xf32, #tpu.memory_space<vmem>> -> memref<64x128xf32, #tpu.memory_space<vmem>>
          %dma_start3A_103 = arith.constant 0 : i32
          %dma_start3A_104 = tpu.memref_slice %arg3[%dma_start3A_103, %multiple_of3A] : memref<64x100000xf32, #tpu.memory_space<hbm>> -> memref<64x128xf32, #tpu.memory_space<hbm>>
          tpu.enqueue_dma source(%dma_start3A_104 : memref<64x128xf32, #tpu.memory_space<hbm>>) target(%dma_start3A_102 : memref<64x128xf32, #tpu.memory_space<vmem>>) target_semaphore(%run_scoped3A : memref<!tpu.dma_semaphore, #tpu.memory_space<semaphore_mem>>)
          %dma_wait3A = arith.constant 0 : i32
          %dma_wait3A_105 = arith.constant 0 : i32
          %dma_wait3A_106 = tpu.memref_slice %arg9[%cond3A_10, %dma_wait3A, %dma_wait3A_105] : memref<4x64x128xf32, #tpu.memory_space<vmem>> -> memref<1x64x128xf32, #tpu.memory_space<vmem>>
          %dma_wait3A_107 = tpu.memref_squeeze %dma_wait3A_106 : memref<1x64x128xf32, #tpu.memory_space<vmem>> -> memref<64x128xf32, #tpu.memory_space<vmem>>
          %dma_wait3A_108 = arith.constant 0 : i32
          %dma_wait3A_109 = tpu.memref_slice %arg3[%dma_wait3A_108, %multiple_of3A] : memref<64x100000xf32, #tpu.memory_space<hbm>> -> memref<64x128xf32, #tpu.memory_space<hbm>>
          %dma_wait3A_110 = arith.constant 0 : i32
          %dma_wait3A_111 = arith.constant 0 : i32
          %dma_wait3A_112 = tpu.memref_slice %arg9[%cond3A_10, %dma_wait3A_110, %dma_wait3A_111] : memref<4x64x128xf32, #tpu.memory_space<vmem>> -> memref<1x64x128xf32, #tpu.memory_space<vmem>>
          %dma_wait3A_113 = tpu.memref_squeeze %dma_wait3A_112 : memref<1x64x128xf32, #tpu.memory_space<vmem>> -> memref<64x128xf32, #tpu.memory_space<vmem>>
          %dma_wait3A_114 = arith.constant 0 : i32
          %dma_wait3A_115 = tpu.memref_slice %arg3[%dma_wait3A_114, %multiple_of3A] : memref<64x100000xf32, #tpu.memory_space<hbm>> -> memref<64x128xf32, #tpu.memory_space<hbm>>
          tpu.wait_dma2 semaphore(%run_scoped3A : memref<!tpu.dma_semaphore, #tpu.memory_space<semaphore_mem>>) src(%dma_wait3A_115 : memref<64x128xf32, #tpu.memory_space<hbm>>) dst(%dma_wait3A_113 : memref<64x128xf32, #tpu.memory_space<vmem>>)
          tpu.yield
        }) : () -> ()
      } else {
      }
      %gt3A = arith.constant 13 : i32
      %gt3A_35 = arith.cmpi sgt, %arg1, %gt3A : i32
      %convert_element_type3A_36 = arith.extui %gt3A_35 : i1 to i32
      %cond3A_37 = arith.constant 0 : i32
      %cond3A_38 = arith.cmpi ne, %convert_element_type3A_36, %cond3A_37 : i32
      scf.if %cond3A_38 {
        %multiple_of3A = tpu.assume_multiple %squeeze3A, 128 : i32
        "tpu.region"() ({
          %run_scoped3A = tpu.sem_alloc : memref<!tpu.dma_semaphore, #tpu.memory_space<semaphore_mem>>
          %dma_start3A = arith.constant 0 : i32
          %dma_start3A_94 = arith.constant 0 : i32
          %dma_start3A_95 = tpu.memref_slice %arg9[%cond3A_10, %dma_start3A, %dma_start3A_94] : memref<4x64x128xf32, #tpu.memory_space<vmem>> -> memref<1x64x128xf32, #tpu.memory_space<vmem>>
          %dma_start3A_96 = tpu.memref_squeeze %dma_start3A_95 : memref<1x64x128xf32, #tpu.memory_space<vmem>> -> memref<64x128xf32, #tpu.memory_space<vmem>>
          %dma_start3A_97 = arith.constant 0 : i32
          %dma_start3A_98 = tpu.memref_slice %arg4[%dma_start3A_97, %multiple_of3A] : memref<64x1000000xf32, #tpu.memory_space<hbm>> -> memref<64x128xf32, #tpu.memory_space<hbm>>
          %dma_start3A_99 = arith.constant 0 : i32
          %dma_start3A_100 = arith.constant 0 : i32
          %dma_start3A_101 = tpu.memref_slice %arg9[%cond3A_10, %dma_start3A_99, %dma_start3A_100] : memref<4x64x128xf32, #tpu.memory_space<vmem>> -> memref<1x64x128xf32, #tpu.memory_space<vmem>>
          %dma_start3A_102 = tpu.memref_squeeze %dma_start3A_101 : memref<1x64x128xf32, #tpu.memory_space<vmem>> -> memref<64x128xf32, #tpu.memory_space<vmem>>
          %dma_start3A_103 = arith.constant 0 : i32
          %dma_start3A_104 = tpu.memref_slice %arg4[%dma_start3A_103, %multiple_of3A] : memref<64x1000000xf32, #tpu.memory_space<hbm>> -> memref<64x128xf32, #tpu.memory_space<hbm>>
          tpu.enqueue_dma source(%dma_start3A_104 : memref<64x128xf32, #tpu.memory_space<hbm>>) target(%dma_start3A_102 : memref<64x128xf32, #tpu.memory_space<vmem>>) target_semaphore(%run_scoped3A : memref<!tpu.dma_semaphore, #tpu.memory_space<semaphore_mem>>)
          %dma_wait3A = arith.constant 0 : i32
          %dma_wait3A_105 = arith.constant 0 : i32
          %dma_wait3A_106 = tpu.memref_slice %arg9[%cond3A_10, %dma_wait3A, %dma_wait3A_105] : memref<4x64x128xf32, #tpu.memory_space<vmem>> -> memref<1x64x128xf32, #tpu.memory_space<vmem>>
          %dma_wait3A_107 = tpu.memref_squeeze %dma_wait3A_106 : memref<1x64x128xf32, #tpu.memory_space<vmem>> -> memref<64x128xf32, #tpu.memory_space<vmem>>
          %dma_wait3A_108 = arith.constant 0 : i32
          %dma_wait3A_109 = tpu.memref_slice %arg4[%dma_wait3A_108, %multiple_of3A] : memref<64x1000000xf32, #tpu.memory_space<hbm>> -> memref<64x128xf32, #tpu.memory_space<hbm>>
          %dma_wait3A_110 = arith.constant 0 : i32
          %dma_wait3A_111 = arith.constant 0 : i32
          %dma_wait3A_112 = tpu.memref_slice %arg9[%cond3A_10, %dma_wait3A_110, %dma_wait3A_111] : memref<4x64x128xf32, #tpu.memory_space<vmem>> -> memref<1x64x128xf32, #tpu.memory_space<vmem>>
          %dma_wait3A_113 = tpu.memref_squeeze %dma_wait3A_112 : memref<1x64x128xf32, #tpu.memory_space<vmem>> -> memref<64x128xf32, #tpu.memory_space<vmem>>
          %dma_wait3A_114 = arith.constant 0 : i32
          %dma_wait3A_115 = tpu.memref_slice %arg4[%dma_wait3A_114, %multiple_of3A] : memref<64x1000000xf32, #tpu.memory_space<hbm>> -> memref<64x128xf32, #tpu.memory_space<hbm>>
          tpu.wait_dma2 semaphore(%run_scoped3A : memref<!tpu.dma_semaphore, #tpu.memory_space<semaphore_mem>>) src(%dma_wait3A_115 : memref<64x128xf32, #tpu.memory_space<hbm>>) dst(%dma_wait3A_113 : memref<64x128xf32, #tpu.memory_space<vmem>>)
          tpu.yield
        }) : () -> ()
      } else {
      }
      %add3A_39 = arith.constant 0 : i32
      %add3A_40 = vector.broadcast %add3A_39 : i32 to vector<16xi32>
      %add3A_41 = arith.addi %iota3A, %add3A_40 : vector<16xi32>
      %gather3A_42 = arith.constant 0 : i32
      %gather3A_43 = arith.constant 0 : i32
      %gather3A_44 = tpu.memref_slice %arg9[%cond3A_10, %gather3A_42, %gather3A_43] : memref<4x64x128xf32, #tpu.memory_space<vmem>> -> memref<1x64x128xf32, #tpu.memory_space<vmem>>
      %gather3A_45 = tpu.memref_squeeze %gather3A_44 : memref<1x64x128xf32, #tpu.memory_space<vmem>> -> memref<64x128xf32, #tpu.memory_space<vmem>>
      %gather3A_46 = tpu.vector_load_idx %gather3A_45[%add3A_41, %gather3A_29] : memref<64x128xf32, #tpu.memory_space<vmem>>[vector<16xi32>, vector<16xi32>], vector<16xf32>,
      %add3A_47 = arith.constant 16 : i32
      %add3A_48 = vector.broadcast %add3A_47 : i32 to vector<16xi32>
      %add3A_49 = arith.addi %iota3A, %add3A_48 : vector<16xi32>
      %gather3A_50 = arith.constant 0 : i32
      %gather3A_51 = arith.constant 0 : i32
      %gather3A_52 = tpu.memref_slice %arg9[%cond3A_10, %gather3A_50, %gather3A_51] : memref<4x64x128xf32, #tpu.memory_space<vmem>> -> memref<1x64x128xf32, #tpu.memory_space<vmem>>
      %gather3A_53 = tpu.memref_squeeze %gather3A_52 : memref<1x64x128xf32, #tpu.memory_space<vmem>> -> memref<64x128xf32, #tpu.memory_space<vmem>>
      %gather3A_54 = tpu.vector_load_idx %gather3A_53[%add3A_49, %gather3A_29] : memref<64x128xf32, #tpu.memory_space<vmem>>[vector<16xi32>, vector<16xi32>], vector<16xf32>,
      %add3A_55 = arith.constant 32 : i32
      %add3A_56 = vector.broadcast %add3A_55 : i32 to vector<16xi32>
      %add3A_57 = arith.addi %iota3A, %add3A_56 : vector<16xi32>
      %gather3A_58 = arith.constant 0 : i32
      %gather3A_59 = arith.constant 0 : i32
      %gather3A_60 = tpu.memref_slice %arg9[%cond3A_10, %gather3A_58, %gather3A_59] : memref<4x64x128xf32, #tpu.memory_space<vmem>> -> memref<1x64x128xf32, #tpu.memory_space<vmem>>
      %gather3A_61 = tpu.memref_squeeze %gather3A_60 : memref<1x64x128xf32, #tpu.memory_space<vmem>> -> memref<64x128xf32, #tpu.memory_space<vmem>>
      %gather3A_62 = tpu.vector_load_idx %gather3A_61[%add3A_57, %gather3A_29] : memref<64x128xf32, #tpu.memory_space<vmem>>[vector<16xi32>, vector<16xi32>], vector<16xf32>,
      %add3A_63 = arith.constant 48 : i32
      %add3A_64 = vector.broadcast %add3A_63 : i32 to vector<16xi32>
      %add3A_65 = arith.addi %iota3A, %add3A_64 : vector<16xi32>
      %gather3A_66 = arith.constant 0 : i32
      %gather3A_67 = arith.constant 0 : i32
      %gather3A_68 = tpu.memref_slice %arg9[%cond3A_10, %gather3A_66, %gather3A_67] : memref<4x64x128xf32, #tpu.memory_space<vmem>> -> memref<1x64x128xf32, #tpu.memory_space<vmem>>
      %gather3A_69 = tpu.memref_squeeze %gather3A_68 : memref<1x64x128xf32, #tpu.memory_space<vmem>> -> memref<64x128xf32, #tpu.memory_space<vmem>>
      %gather3A_70 = tpu.vector_load_idx %gather3A_69[%add3A_65, %gather3A_29] : memref<64x128xf32, #tpu.memory_space<vmem>>[vector<16xi32>, vector<16xi32>], vector<16xf32>,
      %swap3A_71 = arith.constant 0 : index
      %swap3A_72 = tpu.vector_load %arg10[%swap3A_71] {strides = array<i32>} : memref<64xf32, #tpu.memory_space<vmem>>, vector<16xf32>,
      tpu.vector_store %arg10[%swap3A_71], %gather3A_46 {strides = array<i32>} : memref<64xf32, #tpu.memory_space<vmem>>, vector<16xf32>,
      %swap3A_73 = arith.constant 16 : index
      %swap3A_74 = tpu.vector_load %arg10[%swap3A_73] {strides = array<i32>} : memref<64xf32, #tpu.memory_space<vmem>>, vector<16xf32>,
      tpu.vector_store %arg10[%swap3A_73], %gather3A_54 {strides = array<i32>} : memref<64xf32, #tpu.memory_space<vmem>>, vector<16xf32>,
      %swap3A_75 = arith.constant 32 : index
      %swap3A_76 = tpu.vector_load %arg10[%swap3A_75] {strides = array<i32>} : memref<64xf32, #tpu.memory_space<vmem>>, vector<16xf32>,
      tpu.vector_store %arg10[%swap3A_75], %gather3A_62 {strides = array<i32>} : memref<64xf32, #tpu.memory_space<vmem>>, vector<16xf32>,
      %swap3A_77 = arith.constant 48 : index
      %swap3A_78 = tpu.vector_load %arg10[%swap3A_77] {strides = array<i32>} : memref<64xf32, #tpu.memory_space<vmem>>, vector<16xf32>,
      tpu.vector_store %arg10[%swap3A_77], %gather3A_70 {strides = array<i32>} : memref<64xf32, #tpu.memory_space<vmem>>, vector<16xf32>,
      %eq3A_79 = arith.constant 13 : i32
      %eq3A_80 = arith.cmpi eq, %arg1, %eq3A_79 : i32
      %convert_element_type3A_81 = arith.extui %eq3A_80 : i1 to i32
      %cond3A_82 = arith.constant 0 : i32
      %cond3A_83 = arith.cmpi ne, %convert_element_type3A_81, %cond3A_82 : i32
      scf.if %cond3A_83 {
        %run_scoped3A = arith.constant 26 : i32
        "tpu.region"() ({
          %run_scoped3A_94 = tpu.sem_alloc : memref<!tpu.dma_semaphore, #tpu.memory_space<semaphore_mem>>
          %dma_start3A = arith.constant 0 : i32
          %dma_start3A_95 = tpu.memref_slice %arg5[%run_scoped3A, %dma_start3A] : memref<32x64xf32, #tpu.memory_space<hbm>> -> memref<1x64xf32, #tpu.memory_space<hbm>>
          %dma_start3A_96 = tpu.memref_squeeze %dma_start3A_95 : memref<1x64xf32, #tpu.memory_space<hbm>> -> memref<64xf32, #tpu.memory_space<hbm>>
          %dma_start3A_97 = arith.constant 0 : i32
          %dma_start3A_98 = tpu.memref_slice %arg5[%run_scoped3A, %dma_start3A_97] : memref<32x64xf32, #tpu.memory_space<hbm>> -> memref<1x64xf32, #tpu.memory_space<hbm>>
          %dma_start3A_99 = tpu.memref_squeeze %dma_start3A_98 : memref<1x64xf32, #tpu.memory_space<hbm>> -> memref<64xf32, #tpu.memory_space<hbm>>
          tpu.enqueue_dma source(%arg10 : memref<64xf32, #tpu.memory_space<vmem>>) target(%dma_start3A_99 : memref<64xf32, #tpu.memory_space<hbm>>) target_semaphore(%run_scoped3A_94 : memref<!tpu.dma_semaphore, #tpu.memory_space<semaphore_mem>>)
          %dma_wait3A = arith.constant 0 : i32
          %dma_wait3A_100 = tpu.memref_slice %arg5[%run_scoped3A, %dma_wait3A] : memref<32x64xf32, #tpu.memory_space<hbm>> -> memref<1x64xf32, #tpu.memory_space<hbm>>
          %dma_wait3A_101 = tpu.memref_squeeze %dma_wait3A_100 : memref<1x64xf32, #tpu.memory_space<hbm>> -> memref<64xf32, #tpu.memory_space<hbm>>
          %dma_wait3A_102 = arith.constant 0 : i32
          %dma_wait3A_103 = tpu.memref_slice %arg5[%run_scoped3A, %dma_wait3A_102] : memref<32x64xf32, #tpu.memory_space<hbm>> -> memref<1x64xf32, #tpu.memory_space<hbm>>
          %dma_wait3A_104 = tpu.memref_squeeze %dma_wait3A_103 : memref<1x64xf32, #tpu.memory_space<hbm>> -> memref<64xf32, #tpu.memory_space<hbm>>
          tpu.wait_dma2 semaphore(%run_scoped3A_94 : memref<!tpu.dma_semaphore, #tpu.memory_space<semaphore_mem>>) src(%arg10 : memref<64xf32, #tpu.memory_space<vmem>>) dst(%dma_wait3A_104 : memref<64xf32, #tpu.memory_space<hbm>>)
          tpu.yield
        }) : () -> ()
      } else {
      }
      %eq3A_84 = arith.constant 14 : i32
      %eq3A_85 = arith.cmpi eq, %arg1, %eq3A_84 : i32
      %convert_element_type3A_86 = arith.extui %eq3A_85 : i1 to i32
      %cond3A_87 = arith.constant 0 : i32
      %cond3A_88 = arith.cmpi ne, %convert_element_type3A_86, %cond3A_87 : i32
      scf.if %cond3A_88 {
        %run_scoped3A = arith.constant 27 : i32
        "tpu.region"() ({
          %run_scoped3A_94 = tpu.sem_alloc : memref<!tpu.dma_semaphore, #tpu.memory_space<semaphore_mem>>
          %dma_start3A = arith.constant 0 : i32
          %dma_start3A_95 = tpu.memref_slice %arg5[%run_scoped3A, %dma_start3A] : memref<32x64xf32, #tpu.memory_space<hbm>> -> memref<1x64xf32, #tpu.memory_space<hbm>>
          %dma_start3A_96 = tpu.memref_squeeze %dma_start3A_95 : memref<1x64xf32, #tpu.memory_space<hbm>> -> memref<64xf32, #tpu.memory_space<hbm>>
          %dma_start3A_97 = arith.constant 0 : i32
          %dma_start3A_98 = tpu.memref_slice %arg5[%run_scoped3A, %dma_start3A_97] : memref<32x64xf32, #tpu.memory_space<hbm>> -> memref<1x64xf32, #tpu.memory_space<hbm>>
          %dma_start3A_99 = tpu.memref_squeeze %dma_start3A_98 : memref<1x64xf32, #tpu.memory_space<hbm>> -> memref<64xf32, #tpu.memory_space<hbm>>
          tpu.enqueue_dma source(%arg10 : memref<64xf32, #tpu.memory_space<vmem>>) target(%dma_start3A_99 : memref<64xf32, #tpu.memory_space<hbm>>) target_semaphore(%run_scoped3A_94 : memref<!tpu.dma_semaphore, #tpu.memory_space<semaphore_mem>>)
          %dma_wait3A = arith.constant 0 : i32
          %dma_wait3A_100 = tpu.memref_slice %arg5[%run_scoped3A, %dma_wait3A] : memref<32x64xf32, #tpu.memory_space<hbm>> -> memref<1x64xf32, #tpu.memory_space<hbm>>
          %dma_wait3A_101 = tpu.memref_squeeze %dma_wait3A_100 : memref<1x64xf32, #tpu.memory_space<hbm>> -> memref<64xf32, #tpu.memory_space<hbm>>
          %dma_wait3A_102 = arith.constant 0 : i32
          %dma_wait3A_103 = tpu.memref_slice %arg5[%run_scoped3A, %dma_wait3A_102] : memref<32x64xf32, #tpu.memory_space<hbm>> -> memref<1x64xf32, #tpu.memory_space<hbm>>
          %dma_wait3A_104 = tpu.memref_squeeze %dma_wait3A_103 : memref<1x64xf32, #tpu.memory_space<hbm>> -> memref<64xf32, #tpu.memory_space<hbm>>
          tpu.wait_dma2 semaphore(%run_scoped3A_94 : memref<!tpu.dma_semaphore, #tpu.memory_space<semaphore_mem>>) src(%arg10 : memref<64xf32, #tpu.memory_space<vmem>>) dst(%dma_wait3A_104 : memref<64xf32, #tpu.memory_space<hbm>>)
          tpu.yield
        }) : () -> ()
      } else {
      }
      %eq3A_89 = arith.constant 15 : i32
      %eq3A_90 = arith.cmpi eq, %arg1, %eq3A_89 : i32
      %convert_element_type3A_91 = arith.extui %eq3A_90 : i1 to i32
      %cond3A_92 = arith.constant 0 : i32
      %cond3A_93 = arith.cmpi ne, %convert_element_type3A_91, %cond3A_92 : i32
      scf.if %cond3A_93 {
        %run_scoped3A = arith.constant 28 : i32
        "tpu.region"() ({
          %run_scoped3A_94 = tpu.sem_alloc : memref<!tpu.dma_semaphore, #tpu.memory_space<semaphore_mem>>
          %dma_start3A = arith.constant 0 : i32
          %dma_start3A_95 = tpu.memref_slice %arg5[%run_scoped3A, %dma_start3A] : memref<32x64xf32, #tpu.memory_space<hbm>> -> memref<1x64xf32, #tpu.memory_space<hbm>>
          %dma_start3A_96 = tpu.memref_squeeze %dma_start3A_95 : memref<1x64xf32, #tpu.memory_space<hbm>> -> memref<64xf32, #tpu.memory_space<hbm>>
          %dma_start3A_97 = arith.constant 0 : i32
          %dma_start3A_98 = tpu.memref_slice %arg5[%run_scoped3A, %dma_start3A_97] : memref<32x64xf32, #tpu.memory_space<hbm>> -> memref<1x64xf32, #tpu.memory_space<hbm>>
          %dma_start3A_99 = tpu.memref_squeeze %dma_start3A_98 : memref<1x64xf32, #tpu.memory_space<hbm>> -> memref<64xf32, #tpu.memory_space<hbm>>
          tpu.enqueue_dma source(%arg10 : memref<64xf32, #tpu.memory_space<vmem>>) target(%dma_start3A_99 : memref<64xf32, #tpu.memory_space<hbm>>) target_semaphore(%run_scoped3A_94 : memref<!tpu.dma_semaphore, #tpu.memory_space<semaphore_mem>>)
          %dma_wait3A = arith.constant 0 : i32
          %dma_wait3A_100 = tpu.memref_slice %arg5[%run_scoped3A, %dma_wait3A] : memref<32x64xf32, #tpu.memory_space<hbm>> -> memref<1x64xf32, #tpu.memory_space<hbm>>
          %dma_wait3A_101 = tpu.memref_squeeze %dma_wait3A_100 : memref<1x64xf32, #tpu.memory_space<hbm>> -> memref<64xf32, #tpu.memory_space<hbm>>
          %dma_wait3A_102 = arith.constant 0 : i32
          %dma_wait3A_103 = tpu.memref_slice %arg5[%run_scoped3A, %dma_wait3A_102] : memref<32x64xf32, #tpu.memory_space<hbm>> -> memref<1x64xf32, #tpu.memory_space<hbm>>
          %dma_wait3A_104 = tpu.memref_squeeze %dma_wait3A_103 : memref<1x64xf32, #tpu.memory_space<hbm>> -> memref<64xf32, #tpu.memory_space<hbm>>
          tpu.wait_dma2 semaphore(%run_scoped3A_94 : memref<!tpu.dma_semaphore, #tpu.memory_space<semaphore_mem>>) src(%arg10 : memref<64xf32, #tpu.memory_space<vmem>>) dst(%dma_wait3A_104 : memref<64xf32, #tpu.memory_space<hbm>>)
          tpu.yield
        }) : () -> ()
      } else {
      }
    } else {
    }
    return
  }
}

module attributes {stable_mosaic.version = 14 : i64} {
  func.func @_tc_stage_b_body(%arg0: memref<32x64xf32, #tpu.memory_space<vmem>>, %arg1: memref<8x128xf32, #tpu.memory_space<vmem>>) attributes {dimension_semantics = [], scalar_prefetch = 0 : i64, scratch_operands = 0 : i64, tpu.core_type = #tpu.core_type<tc>} {
    %get3A = arith.constant 0 : index
    %get3A_0 = arith.constant 0 : index
    %get3A_1 = vector.load %arg0[%get3A, %get3A_0] : memref<32x64xf32, #tpu.memory_space<vmem>>, vector<32x64xf32>
    %slice3A = vector.extract_strided_slice %get3A_1 {offsets = [0, 0], sizes = [26, 64], strides = [1, 1]} : vector<32x64xf32> to vector<26x64xf32>
    %reduce_sum3A = arith.constant dense<0.000000e+00> : vector<64xf32>
    %reduce_sum3A_2 = vector.multi_reduction <add>, %slice3A, %reduce_sum3A [0] : vector<26x64xf32> to vector<64xf32>
    %slice3A_3 = vector.extract_strided_slice %get3A_1 {offsets = [26, 0], sizes = [1, 64], strides = [1, 1]} : vector<32x64xf32> to vector<1x64xf32>
    %squeeze3A = vector.shape_cast %slice3A_3 : vector<1x64xf32> to vector<64xf32>
    %div3A = arith.constant 2.000000e+02 : f32
    %div3A_4 = vector.broadcast %div3A : f32 to vector<64xf32>
    %div3A_5 = arith.divf %reduce_sum3A_2, %div3A_4 : vector<64xf32>
    %add3A = arith.addf %squeeze3A, %div3A_5 : vector<64xf32>
    %slice3A_6 = vector.extract_strided_slice %get3A_1 {offsets = [27, 0], sizes = [1, 64], strides = [1, 1]} : vector<32x64xf32> to vector<1x64xf32>
    %squeeze3A_7 = vector.shape_cast %slice3A_6 : vector<1x64xf32> to vector<64xf32>
    %mul3A = arith.mulf %add3A, %squeeze3A_7 : vector<64xf32>
    %reduce_sum3A_8 = vector.shape_cast %mul3A : vector<64xf32> to vector<1x64xf32>
    %reduce_sum3A_9 = arith.constant dense<0.000000e+00> : vector<1xf32>
    %reduce_sum3A_10 = vector.multi_reduction <add>, %reduce_sum3A_8, %reduce_sum3A_9 [1] : vector<1x64xf32> to vector<1xf32>
    %reduce_sum3A_11 = vector.shape_cast %reduce_sum3A_10 : vector<1xf32> to vector<1x1xf32>
    %reduce_sum3A_12 = vector.extract %reduce_sum3A_11[0, 0] : f32 from vector<1x1xf32>
    %slice3A_13 = vector.extract_strided_slice %get3A_1 {offsets = [28, 0], sizes = [1, 64], strides = [1, 1]} : vector<32x64xf32> to vector<1x64xf32>
    %squeeze3A_14 = vector.shape_cast %slice3A_13 : vector<1x64xf32> to vector<64xf32>
    %mul3A_15 = arith.mulf %add3A, %squeeze3A_14 : vector<64xf32>
    %reduce_sum3A_16 = vector.shape_cast %mul3A_15 : vector<64xf32> to vector<1x64xf32>
    %reduce_sum3A_17 = arith.constant dense<0.000000e+00> : vector<1xf32>
    %reduce_sum3A_18 = vector.multi_reduction <add>, %reduce_sum3A_16, %reduce_sum3A_17 [1] : vector<1x64xf32> to vector<1xf32>
    %reduce_sum3A_19 = vector.shape_cast %reduce_sum3A_18 : vector<1xf32> to vector<1x1xf32>
    %reduce_sum3A_20 = vector.extract %reduce_sum3A_19[0, 0] : f32 from vector<1x1xf32>
    %iota3A = tpu.iota {dimensions = array<i32: 0>} : vector<8x128xi32>
    %iota3A_21 = tpu.iota {dimensions = array<i32: 1>} : vector<8x128xi32>
    %eq3A = arith.constant 0 : i32
    %eq3A_22 = vector.broadcast %eq3A : i32 to vector<8x128xi32>
    %eq3A_23 = arith.cmpi eq, %iota3A, %eq3A_22 : vector<8x128xi32>
    %eq3A_24 = arith.constant 0 : i32
    %eq3A_25 = vector.broadcast %eq3A_24 : i32 to vector<8x128xi32>
    %eq3A_26 = arith.cmpi eq, %iota3A_21, %eq3A_25 : vector<8x128xi32>
    %and3A = arith.andi %eq3A_23, %eq3A_26 : vector<8x128xi1>
    %eq3A_27 = arith.constant 0 : i32
    %eq3A_28 = vector.broadcast %eq3A_27 : i32 to vector<8x128xi32>
    %eq3A_29 = arith.cmpi eq, %iota3A, %eq3A_28 : vector<8x128xi32>
    %eq3A_30 = arith.constant 1 : i32
    %eq3A_31 = vector.broadcast %eq3A_30 : i32 to vector<8x128xi32>
    %eq3A_32 = arith.cmpi eq, %iota3A_21, %eq3A_31 : vector<8x128xi32>
    %and3A_33 = arith.andi %eq3A_29, %eq3A_32 : vector<8x128xi1>
    %jit3A = arith.constant 0.000000e+00 : f32
    %broadcast_in_dim3A = vector.broadcast %reduce_sum3A_20 : f32 to vector<8x128xf32>
    %broadcast_in_dim3A_34 = vector.broadcast %jit3A : f32 to vector<8x128xf32>
    %select_n3A = arith.select %and3A_33, %broadcast_in_dim3A, %broadcast_in_dim3A_34 : vector<8x128xi1>, vector<8x128xf32>
    %broadcast_in_dim3A_35 = vector.broadcast %reduce_sum3A_12 : f32 to vector<8x128xf32>
    %select_n3A_36 = arith.select %and3A, %broadcast_in_dim3A_35, %select_n3A : vector<8x128xi1>, vector<8x128xf32>
    %swap3A = arith.constant 0 : index
    %swap3A_37 = arith.constant 0 : index
    %swap3A_38 = vector.load %arg1[%swap3A, %swap3A_37] : memref<8x128xf32, #tpu.memory_space<vmem>>, vector<8x128xf32>
    tpu.vector_store %arg1[%swap3A, %swap3A_37], %select_n3A_36 {strides = array<i32>} : memref<8x128xf32, #tpu.memory_space<vmem>>, vector<8x128xf32>,
    return
  }
}

</mosaic_0001>

<sc_bundles>
// kernel: kernel.4.cloned.1.call-start
scs
__scs_entry_jumppad:
0x0: {  	(pc) =	sbr.rel $0x88, $3  }
0x1: {  	(tag) =	ssettag $0x0;
	lr =	simm.s32 $0x1  }
0x2: {  	[smem:$0x3F9B] =	sst lr;
	_ =	strace $0xD0000000  }
0x3: {  	_ = 	snop  }
0x4: {  	_ = 	snop  }
0x5: {  	_ = 	snop  }
0x6: {  	_ = 	snop  }
0x7: {  	_ = 	snop  }
__scs_overlays_trampoline_lowered:
0x8: {  	[smem:$0x3FAA] =	sst s0  }
0x9: {  	[smem:$0x3FAB] =	sst s1  }
0xa: {  	[smem:$0x3FAC] =	sst s2  }
0xb: {  	[smem:$0x3FAD] =	sst s3  }
0xc: {  	[smem:$0x3FAE] =	sst s4  }
0xd: {  	[smem:$0x3FAF] =	sst s5  }
0xe: {  	[smem:$0x3FB0] =	sst s6  }
0xf: {  	[smem:$0x3FB1] =	sst s7  }
0x10: {  	[smem:$0x3FB2] =	sst s8  }
0x11: {  	[smem:$0x3FB3] =	sst s9;
	s0 =	simm.s32 @!p0 $0x0  }
0x12: {  	s1 =	sld [smem:$0x3F99];
	s0 =	simm.s32 @p0 $0x1  }
0x13: {  	[smem:$0x3FB4] =	sst s0;
	s0 =	simm.s32 @!p1 $0x0  }
0x14: {  	s2 =	sld [smem:$0x3F98];
	s0 =	simm.s32 @p1 $0x1  }
0x15: {  	[smem:$0x3FB5] =	sst s0;
	s0 =	simm.s32 @!p2 $0x0  }
0x16: {  	s3 =	sld [smem:$0x3FDB];
	s0 =	simm.s32 @p2 $0x1  }
0x17: {  	s4 =	simm.s32 $0x1BF5;
	[smem:$0x3FB7] =	sst s0  }
0x18: {  	s0 =	sld [smem:$0x3F9A];
	_ =	swait.ge [sflag:s4], $0x0  }
0x19: {  	s7 =	sld [smem:$0x3F9B]  }
0x1a: {  	s8 =	sadd.s32 $0xFFFFE003, lr  }
0x1b: {  	s9 =	sadd.s32 $0xFFFFFEF7, lr;
	s5 =	simm.s32 $0xFFFFFFFF;
	p2 =	slt.u32 s8, $0xFFFFF086  }
0x1c: {  	p1 =	slt.u32 s9, $0xF7A;
	s5 =	simm.s32 @!p2 $0x0  }
0x1d: {  	s5 =	simm.s32 @p1 $0x1;
	p0 =	seq.s32 s7, s2  }
0x1e: {  	s7 =	smul.u32 @!p0 $0xF7A, s2;
	p2 =	seq.s32 @!p0 s5, $0x0  }
0x1f: {  	s9 =	smul.u32 $0xF7A, s1;
	s8 =	simm.s32 @!p0 $0x1BF5;
	p2 =	por !p2, p0  }
0x20: {  	[sflag:s8] =	ssyncset.s32 @!p0 $0xFFFFF086;
	s6 =	sadd.s32 @!p0 s3, s7;
	s7 =	simm.s32 @!p0 $0x108  }
0x21: {  	s3 =	sadd.s32 s3, s9;
	s6 =	sadd.s32 @!p0 $0x88, s6;
	s7 =	simm.s32 @p2 $0x1082  }
0x22: {  	[simem:s7], [sflag:s8] =	dma.local @!p0 [hbm:s6], $0xF7A  }
0x23: {  	s9 =	sor.u32 $0xD0000000, s2;
	s6 =	simm.s32 $0x108;
	_ =	swait.ge @!p0 [sflag:s8], $0x0  }
0x24: {  	s3 =	sadd.s32 $0x88, s3;
	s6 =	simm.s32 @!p1 $0x1082;
	[sflag:s4] =	ssyncset.s32 $0xFFFFF086  }
0x25: {  	[simem:s6], [sflag:s4] =	dma.local [hbm:s3], $0xF7A  }
0x26: {  	[smem:$0x3F9B] =	sst s1;
	(tag) =	ssettag s2;
	_ =	strace s9  }
0x27: {  	s1 =	sld [smem:$0x3FAB]  }
0x28: {  	s2 =	sld [smem:$0x3FAC]  }
0x29: {  	s4 =	sld [smem:$0x3FAE]  }
0x2a: {  	p0 =	seq.s32 s5, $0x0;
	s5 =	sld [smem:$0x3FAF]  }
0x2b: {  	s6 =	sld [smem:$0x3FB0]  }
0x2c: {  	s7 =	sld [smem:$0x3FB1]  }
0x2d: {  	s3 =	simm.s32 $0x108;
	s8 =	sld [smem:$0x3FB2]  }
0x2e: {  	s3 =	simm.s32 @!p0 $0x1082;
	s9 =	sld [smem:$0x3FB3]  }
0x2f: {  	lr =	sadd.s32 s0, s3;
	s0 =	sld [smem:$0x3FAA]  }
0x30: {  	s3 =	sld [smem:$0x3FAD]  }
0x31: {  	[smem:$0x3FB6] =	sst s10  }
0x32: {  	s10 =	sld [smem:$0x3FB4];
	_ =	sdelay $0x3  }
0x33: {  	p0 =	seq.s32 s10, $0x1;
	s10 =	sld [smem:$0x3FB6];
	_ =	sdelay $0x3  }
0x34: {  	[smem:$0x3FB6] =	sst s10  }
0x35: {  	s10 =	sld [smem:$0x3FB5];
	_ =	sdelay $0x3  }
0x36: {  	p1 =	seq.s32 s10, $0x1;
	s10 =	sld [smem:$0x3FB6];
	_ =	sdelay $0x3  }
0x37: {  	[smem:$0x3FB6] =	sst s10  }
0x38: {  	s10 =	sld [smem:$0x3FB7]  }
0x39: {  	_ = 	snop;
	(pc) =	sbr.ind lr, $3  }
0x3a: {  	_ = 	snop  }
0x3b: {  	_ = 	snop  }
0x3c: {  	p2 =	seq.s32 s10, $0x1;
	s10 =	sld [smem:$0x3FB6]  }
0x3d: {  	_ =	shalt  }
0x3e: {  	_ =	shalt  }
0x3f: {  	_ =	shalt  }
0x40: {  	_ =	shalt  }
0x41: {  	_ =	shalt  }
0x42: {  	_ =	shalt  }
0x43: {  	_ =	shalt  }
0x44: {  	_ =	shalt  }
0x45: {  	_ =	shalt  }
0x46: {  	_ =	shalt  }
0x47: {  	_ =	shalt  }
0x48: {  	_ =	shalt  }
0x49: {  	_ =	shalt  }
0x4a: {  	_ =	shalt  }
0x4b: {  	_ =	shalt  }
0x4c: {  	_ =	shalt  }
0x4d: {  	_ =	shalt  }
0x4e: {  	_ =	shalt  }
0x4f: {  	_ =	shalt  }
0x50: {  	_ =	shalt  }
0x51: {  	_ =	shalt  }
0x52: {  	_ =	shalt  }
0x53: {  	_ =	shalt  }
0x54: {  	_ =	shalt  }
0x55: {  	_ =	shalt  }
0x56: {  	_ =	shalt  }
0x57: {  	_ =	shalt  }
0x58: {  	_ =	shalt  }
0x59: {  	_ =	shalt  }
0x5a: {  	_ =	shalt  }
0x5b: {  	_ =	shalt  }
0x5c: {  	_ =	shalt  }
0x5d: {  	_ =	shalt  }
0x5e: {  	_ =	shalt  }
0x5f: {  	_ =	shalt  }
0x60: {  	_ =	shalt  }
0x61: {  	_ =	shalt  }
0x62: {  	_ =	shalt  }
0x63: {  	_ =	shalt  }
0x64: {  	_ =	shalt  }
0x65: {  	_ =	shalt  }
0x66: {  	_ =	shalt  }
0x67: {  	_ =	shalt  }
0x68: {  	_ =	shalt  }
0x69: {  	_ =	shalt  }
0x6a: {  	_ =	shalt  }
0x6b: {  	_ =	shalt  }
0x6c: {  	_ =	shalt  }
0x6d: {  	_ =	shalt  }
0x6e: {  	_ =	shalt  }
0x6f: {  	_ =	shalt  }
0x70: {  	_ =	shalt  }
0x71: {  	_ =	shalt  }
0x72: {  	_ =	shalt  }
0x73: {  	_ =	shalt  }
0x74: {  	_ =	shalt  }
0x75: {  	_ =	shalt  }
0x76: {  	_ =	shalt  }
0x77: {  	_ =	shalt  }
0x78: {  	_ =	shalt  }
0x79: {  	_ =	shalt  }
0x7a: {  	_ =	shalt  }
0x7b: {  	_ =	shalt  }
0x7c: {  	_ =	shalt  }
0x7d: {  	_ =	shalt  }
0x7e: {  	_ =	shalt  }
0x7f: {  	_ =	shalt  }
0x80: {  	_ =	shalt  }
0x81: {  	_ =	shalt  }
0x82: {  	_ =	shalt  }
0x83: {  	_ =	shalt  }
0x84: {  	_ =	shalt  }
0x85: {  	_ =	shalt  }
0x86: {  	_ =	shalt  }
0x87: {  	_ =	shalt  }
.Lfunc_end0:
.L_simem_size_0:
called_computation_lowered:
.L_overlay_start_0:
0x88: {  	s2 =	sld [smem:$0x3FD9]  }
0x89: {  	s3 =	sld [smem:$0x3FFE];
	_ =	sdelay $0x1  }
0x8a: {  	s1 =	srdreg.scid  }
0x8b: {  	s0 =	sand.u32 $0x1, s1  }
0x8c: {  	s17 =	sshll.u32 s0, $0xA;
	s2 =	sadd.s32 s3, s2  }
0x8d: {  	s2 =	sadd.s32 s2, s17  }
0x8e: {  	[smem:$0x3FC2] =	sst s2  }
0x8f: {  	_ = 	snop  }
0x90: {  	s2 =	sld [smem:$0x3FC5]  }
0x91: {  	s18 =	sld [smem:$0x3FC4];
	(tm) =	ssettm $0x1  }
0x92: {  	s4 =	sld [smem:$0x3FFB];
	_ =	sdelay $0x3  }
0x93: {  	_ =	strace s4  }
0x94: {  	s4 =	sld [smem:$0x3FFC];
	_ =	sdelay $0x3  }
0x95: {  	_ =	strace s4  }
0x96: {  	s4 =	sld [smem:$0x3FFD];
	_ =	sdelay $0x3  }
0x97: {  	_ =	strace s4  }
0x98: {  	_ =	strace $0x8FFFFFFF  }
0x99: {  	s19 =	sld [smem:$0x3FDB];
	_ =	sdelay $0x1  }
0x9a: {  	s5 =	simm.s32 $_scs_section_size  }
0x9b: {  	s6 =	simm.s32 $_size__tile_overlayer_lowered;
	s7 =	simm.s32 $_tile_overlayer_lowered  }
0x9c: {  	s22 =	simm.s32 $0x1BFF;
	s21 =	sshll.u32 s7, $0x1;
	s4 =	sadd.s32 s5, s19  }
0x9d: {  	s8 =	simm.s32 $0x0;
	s20 =	sshll.u32 s6, $0x1;
	s6 =	sadd.s32 s21, s4  }
0x9e: {  	[timem:s8], [sflag:s22] =	dma.local [hbm:s6], s20  }
0x9f: {  	_ =	swait.ge [sflag:s22], s20  }
0xa0: {  	s5 =	ssub.s32 $0x0, s20;
	[sflag:s22] =	ssyncset.done $0x0  }
0xa1: {  	[sflag:s22] =	ssyncadd.s32 s5;
	_ =	sdelay $0x1  }
0xa2: {  	s23 =	simm.s32 $0x1B8B  }
0xa3: {  	_ =	swait.ge [sflag:s23], $0x1  }
0xa4: {  	[sflag:s23] =	ssyncset.done $0x0  }
0xa5: {  	s25 =	simm.s32 $0x1B8E;
	s24 =	sld [smem:$0x3FFE];
	[sflag:s23] =	ssyncadd.s32 $0xFFFFFFFF  }
0xa6: {  	s26 =	simm.s32 $execute0_lowered;
	[smem:$0x3FD2] =	sst s25  }
0xa7: {  	s6 =	sshll.u32 s26, $0x1;
	_ =	strace $0x80000046;
	[dreg:$0x1] =	wrdreg $0xFFFFFFFF  }
0xa8: {  	s28 =	simm.s32 $_size_execute0_lowered;
	s4 =	sadd.s32 s4, s6;
	[dreg:$0x0] =	wrdreg $0x0  }
0xa9: {  	s6 =	sshll.u32 s28, $0x1;
	[dreg:$0x2] =	wrdreg s4  }
0xaa: {  	[dreg:$0x3] =	wrdreg s6  }
0xab: {  	[dreg:$0x4] =	wrdreg $0xC0  }
0xac: {  	_ =	task [dreg:s8], $0x5FFFF  }
0xad: {  	[dreg:$0x1] =	wrdreg $0xFFFFFFFF  }
0xae: {  	[dreg:$0x0] =	wrdreg $0x60  }
0xaf: {  	[dreg:$0x2] =	wrdreg s24  }
0xb0: {  	[dreg:$0x3] =	wrdreg s2  }
0xb1: {  	[dreg:$0x4] =	wrdreg s18  }
0xb2: {  	[dreg:$0x5] =	wrdreg $0x9  }
0xb3: {  	_ =	task.clear_ibuf [dreg:s8], $0x6FFFF;
	_ =	strace $0x90000046  }
0xb4: {  	s29 =	simm.s32 $0x9;
	_ =	strace $0x80000048  }
0xb5: {  	_ =	swait.ge [sflag:s29], $0x1  }
0xb6: {  	[sflag:s29] =	ssyncadd.s32 $0xFFFFFFFF  }
0xb7: {  	_ =	strace $0x90000048  }
0xb8: {  	_ =	sfence  }
0xb9: {  	s30 =	sld [smem:$0x0];
	_ =	sdelay $0x2  }
0xba: {  	s31 =	sshll.u32 s1, $0xD;
	s1 =	sshrl.u32 s1, $0x2  }
0xbb: {  	s3 =	sand.u32 $0x4000, s31;
	s1 =	sadd.s32 s1, s30  }
0xbc: {  	s0 =	sor.u32 s3, s0;
	s1 =	sshll.u32 s1, $0x11  }
0xbd: {  	s0 =	sor.u32 s1, s0  }
0xbe: {  	s0 =	sadd.s32 $0x8F2B, s0  }
0xbf: {  	[sflag:s0] =	ssyncadd.remote.s32 $0x1  }
0xc0: {  	_ =	sfence.sel $0xFFFF  }
0xc1: {  	[dreg:$0x0] =	wrdreg $0xFFFFFFFF;
	(pc) =	sbr.abs _section_cstart, $3  }
0xc2: {  	[dreg:$0x1] =	wrdreg $0xFFFFFFFF  }
0xc3: {  	_ =	task.clear_ibuf [dreg:s8], $0x2FFFF;
	_ =	strace $0x9FFFFFFF  }
0xc4: {  	(tm) =	ssettm $0x7FFFFFFF  }
0xc5: {  	_ =	shalt  }
tec
execute0_lowered:
.L_overlay_start_1:
0x0: {  	(tag) =	ssettag $0x1  }
0x1: {  	s7 =	rddreg [dreg:$0x0]  }
0x2: {  	s1 =	rddreg [dreg:$0x1]  }
0x3: {  	s0 =	srdreg.scid;
	s2 =	rddreg [dreg:$0x2];
	s4 =	simm.s32 $0x0  }
0x4: {  	s3 =	stileid.u32;
	s19 =	simm.s32 $0x8;
	s13 =	simm.s32 $0x2  }
0x5: {  	s14 =	simm.s32 $0x90;
	s15 =	simm.s32 $0x110;
	s16 =	simm.s32 $0x400  }
0x6: {  	s17 =	simm.s32 $0x7A1400;
	s18 =	simm.s32 $0x180;
	s20 =	simm.s32 $0x4180  }
0x7: {  	s21 =	simm.s32 $0x6180;
	s22 =	simm.s32 $0x1;
	s23 =	simm.s32 $0x80  }
0x8: {  	s24 =	sand.u32 $0x1, s0;
	[smem:$0x7FF] =	sst s4;
	p0 =	seq.s32 s3, $0xE  }
0x9: {  	p1 =	seq.s32 s3, $0xD;
	s25 =	sadd.s32 $0xFFFFFFF3, s3;
	s5 =	smul.u32 $0xD, s24  }
0xa: {  	s6 =	ssub.s32 $0x2, s24;
	_ =	strace $0x80000047;
	s19 =	simm.s32 @!p0 $0x9  }
0xb: {  	p0 =	sgt.u32 s3, $0xC;
	s8 =	sshrl.u32 s6, $0x1;
	s19 =	simm.s32 @p1 $0xA  }
0xc: {  	p1 =	sne.s32 s24, $0x0;
	s24 =	simm.s32 $0x100;
	s9 =	sadd.s32 s3, s5  }
0xd: {  	s5 =	sadd.s32 $0xC00, s7;
	s12 =	ssub.s32 s6, s8;
	s6 =	sadd.s32 $0xA18, s7  }
0xe: {  	v1 =	vmov s19;
	s19 =	simm.s32 $0x2180;
	p3 =	sne.s32 @!p1 s3, $0xD;
	p5 =	sgt.u32 @!p1 s25, $0x2  }
.Ltmp0:
0xf: {  	v0 =	vlaneseq.u32;
	v3 =	vimm.s32 $0x10;
	p4 =	slt.u32 @!p1 s25, $0x2;
	s25 =	simm.s32 $0x8180;
	(pc) =	sbr.rel .LBB2_1-.Ltmp0, $4  }
0x10: {  	v7 =	vimm.s32 $0x11;
	v8 =	vimm.s32 $0x12;
	v0 =	vmul.u32 $0x80, v0;
	s10 =	sadd.s32 s9, s7;
	s7 =	sadd.s32 $0xA38, s7;
	s11 =	sshll.u32 s9, $0x4  }
0x11: {  	v9 =	vimm.s32 $0x13;
	v10 =	vimm.s32 $0x14;
	v11 =	vimm.s32 $0x15;
	s12 =	smax.u32 s12, $0x1;
	p2 =	por !p3, p1;
	p3 =	por p3, p1  }
0x12: {  	v12 =	vimm.s32 $0x16;
	v13 =	vimm.s32 $0x17;
	v4 =	vor.u32 $0x800, v0;
	p4 =	por !p4, p1;
	p5 =	por p1, p5;
	s8 =	sadd.s32 $0xA00, s10  }
0x13: {  	v5 =	vor.u32 $0x1000, v0;
	v6 =	vor.u32 $0x1800, v0;
	v2 =	vor.u32 $0x10, v1;
	s9 =	sadd.s32 $0xA20, s10;
	s10 =	sadd.s32 $0xA40, s10;
	s11 =	sadd.s32 s5, s11  }
.LBB2_2:
0x14: {  	[tilespmem:s4], [sflag:$0x2] =	stream.linear.gather [hbm4b:s8+s4], $0x10, $0x38;
	[tilespmem:$0x8200] =	vst v63  }
0x15: {  	_ =	swait.ge [sflag:s13], $0x10  }
0x16: {  	[sflag:s13] =	ssyncset.done $0x0  }
0x17: {  	[sflag:s13] =	ssyncadd.s32 $0xFFFFFFF0  }
0x18: {  	[tilespmem:s14], [sflag:$0x2] =	stream.linear.gather [hbm4b:s9+s4], $0x10, $0x38;
	[tilespmem:$0x8200] =	vst v63  }
0x19: {  	_ =	swait.ge [sflag:s13], $0x10  }
0x1a: {  	[sflag:s13] =	ssyncset.done $0x0  }
0x1b: {  	[sflag:s13] =	ssyncadd.s32 $0xFFFFFFF0  }
0x1c: {  	[tilespmem:s15], [sflag:$0x2] =	stream.linear.gather [hbm4b:s10+s4], $0x10, $0x38;
	[tilespmem:$0x8200] =	vst v63  }
0x1d: {  	_ =	swait.ge [sflag:s13], $0x10  }
0x1e: {  	[sflag:s13] =	ssyncset.done $0x0  }
0x1f: {  	[sflag:s13] =	ssyncadd.s32 $0xFFFFFFF0  }
0x20: {  	v14 =	vld [tilespmem:$0x0];
	_ =	sdelay $0x4  }
0x21: {  	(v2sf) =	vpush v14, $0x0;
	_ =	sdelay $0x1  }
0x22: {  	(v2sf) =	vpush v14, $0x1;
	_ =	sdelay $0x2  }
0x23: {  	(v2sf) =	vpush v14, $0x2;
	_ =	sdelay $0x2  }
0x24: {  	(v2sf) =	vpush v14, $0x3;
	_ =	sdelay $0x6  }
0x25: {  	s26 =	spop (v2sf)  }
0x26: {  	s26 =	sand.u32 $0xFFFFF80, s26  }
0x27: {  	s30 =	spop (v2sf);
	s26 =	sadd.s32 s2, s26  }
0x28: {  	[tilespmem:s18], [sflag:$0x1] =	stream.strided.gather [hbm4b:s26+s16], $0x2000, s17, s16, $0x38;
	[tilespmem:$0x8200] =	vst v63  }
0x29: {  	s26 =	sand.u32 $0xFFFFF80, s30  }
0x2a: {  	s31 =	spop (v2sf);
	s26 =	sadd.s32 s2, s26  }
0x2b: {  	[tilespmem:s19], [sflag:$0x1] =	stream.strided.gather [hbm4b:s26+s16], $0x2000, s17, s16, $0x38;
	[tilespmem:$0x8200] =	vst v63  }
0x2c: {  	s26 =	sand.u32 $0xFFFFF80, s31  }
0x2d: {  	s0 =	spop (v2sf);
	s26 =	sadd.s32 s2, s26  }
0x2e: {  	[tilespmem:s20], [sflag:$0x1] =	stream.strided.gather [hbm4b:s26+s16], $0x2000, s17, s16, $0x38;
	[tilespmem:$0x8200] =	vst v63  }
0x2f: {  	s26 =	sand.u32 $0xFFFFF80, s0  }
0x30: {  	s26 =	sadd.s32 s2, s26  }
0x31: {  	[tilespmem:s21], [sflag:$0x1] =	stream.strided.gather [hbm4b:s26+s16], $0x2000, s17, s16, $0x38;
	[tilespmem:$0x8200] =	vst v63  }
0x32: {  	_ =	swait.ge [sflag:s22], $0x2000  }
0x33: {  	(v2sf) =	vpush v14, $0x4;
	_ =	sdelay $0x2  }
0x34: {  	[sflag:s22] =	ssyncset.done $0x0  }
0x35: {  	[sflag:s22] =	ssyncadd.s32 $0xFFFFE000  }
0x36: {  	v15 =	vld.idx.msk [tilespmem:v3+s23+$0x0], $0xffff;
	_ =	sdelay $0x4  }
0x37: {  	v16 =	vadd.s32 v0, v15  }
0x38: {  	v17 =	vadd.s32 v4, v15  }
0x39: {  	v18 =	vadd.s32 v5, v15  }
0x3a: {  	v15 =	vadd.s32 v6, v15  }
0x3b: {  	v19 =	vld.idx.msk [tilespmem:v3+s24+$0x0], $0xffff  }
0x3c: {  	v16 =	vld.idx.msk [tilespmem:v16+s18+$0x0], $0xffff;
	s28 =	spop (v2sf)  }
0x3d: {  	v17 =	vld.idx.msk [tilespmem:v17+s18+$0x0], $0xffff;
	s26 =	sand.u32 $0xFFFFF80, s28  }
0x3e: {  	v18 =	vld.idx.msk [tilespmem:v18+s18+$0x0], $0xffff;
	s26 =	sadd.s32 s2, s26  }
0x3f: {  	v15 =	vld.idx.msk [tilespmem:v15+s18+$0x0], $0xffff;
	[tilespmem:s18], [sflag:$0x1] =	stream.strided.gather [hbm4b:s26+s16], $0x2000, s17, s16, $0x38  }
0x40: {  	_ =	swait.ge [sflag:s22], $0x2000  }
0x41: {  	(v2sf) =	vpush v14, $0x5;
	_ =	sdelay $0x2  }
0x42: {  	[sflag:s22] =	ssyncset.done $0x0  }
0x43: {  	[sflag:s22] =	ssyncadd.s32 $0xFFFFE000  }
0x44: {  	v20 =	vld.idx.msk [tilespmem:v7+s23+$0x0], $0xffff;
	_ =	sdelay $0x4  }
0x45: {  	v21 =	vadd.s32 v0, v20  }
0x46: {  	v22 =	vadd.s32 v4, v20  }
0x47: {  	v23 =	vadd.s32 v5, v20  }
0x48: {  	v20 =	vadd.s32 v6, v20  }
0x49: {  	v24 =	vld.idx.msk [tilespmem:v7+s24+$0x0], $0xffff  }
0x4a: {  	v21 =	vld.idx.msk [tilespmem:v21+s19+$0x0], $0xffff;
	s29 =	spop (v2sf)  }
0x4b: {  	v22 =	vld.idx.msk [tilespmem:v22+s19+$0x0], $0xffff;
	s26 =	sand.u32 $0xFFFFF80, s29  }
0x4c: {  	v23 =	vld.idx.msk [tilespmem:v23+s19+$0x0], $0xffff;
	s26 =	sadd.s32 s2, s26  }
0x4d: {  	v20 =	vld.idx.msk [tilespmem:v20+s19+$0x0], $0xffff;
	[tilespmem:s19], [sflag:$0x1] =	stream.strided.gather [hbm4b:s26+s16], $0x2000, s17, s16, $0x38  }
0x4e: {  	_ =	swait.ge [sflag:s22], $0x2000  }
0x4f: {  	(v2sf) =	vpush v14, $0x6;
	_ =	sdelay $0x2  }
0x50: {  	[sflag:s22] =	ssyncset.done $0x0  }
0x51: {  	[sflag:s22] =	ssyncadd.s32 $0xFFFFE000  }
0x52: {  	v25 =	vld.idx.msk [tilespmem:v8+s23+$0x0], $0xffff;
	_ =	sdelay $0x4  }
0x53: {  	v26 =	vadd.s32 v0, v25  }
0x54: {  	v27 =	vadd.s32 v4, v25  }
0x55: {  	v28 =	vadd.s32 v5, v25  }
0x56: {  	v25 =	vadd.s32 v6, v25  }
0x57: {  	v29 =	vld.idx.msk [tilespmem:v8+s24+$0x0], $0xffff  }
0x58: {  	v26 =	vld.idx.msk [tilespmem:v26+s20+$0x0], $0xffff;
	s30 =	spop (v2sf)  }
0x59: {  	v27 =	vld.idx.msk [tilespmem:v27+s20+$0x0], $0xffff;
	s26 =	sand.u32 $0xFFFFF80, s30  }
0x5a: {  	v28 =	vld.idx.msk [tilespmem:v28+s20+$0x0], $0xffff;
	s26 =	sadd.s32 s2, s26  }
0x5b: {  	v25 =	vld.idx.msk [tilespmem:v25+s20+$0x0], $0xffff;
	[tilespmem:s20], [sflag:$0x1] =	stream.strided.gather [hbm4b:s26+s16], $0x2000, s17, s16, $0x38  }
0x5c: {  	_ =	swait.ge [sflag:s22], $0x2000  }
0x5d: {  	(v2sf) =	vpush v14, $0x7;
	_ =	sdelay $0x2  }
0x5e: {  	[sflag:s22] =	ssyncset.done $0x0  }
0x5f: {  	[sflag:s22] =	ssyncadd.s32 $0xFFFFE000  }
0x60: {  	v14 =	vld.idx.msk [tilespmem:v9+s23+$0x0], $0xffff;
	_ =	sdelay $0x4  }
0x61: {  	v30 =	vadd.s32 v0, v14  }
0x62: {  	v31 =	vadd.s32 v4, v14  }
0x63: {  	v32 =	vadd.s32 v5, v14  }
0x64: {  	v14 =	vadd.s32 v6, v14  }
0x65: {  	v33 =	vld.idx.msk [tilespmem:v9+s24+$0x0], $0xffff  }
0x66: {  	v30 =	vld.idx.msk [tilespmem:v30+s21+$0x0], $0xffff;
	s31 =	spop (v2sf)  }
0x67: {  	v31 =	vld.idx.msk [tilespmem:v31+s21+$0x0], $0xffff;
	s26 =	sand.u32 $0xFFFFF80, s31  }
0x68: {  	v32 =	vld.idx.msk [tilespmem:v32+s21+$0x0], $0xffff;
	s26 =	sadd.s32 s2, s26  }
0x69: {  	v14 =	vld.idx.msk [tilespmem:v14+s21+$0x0], $0xffff;
	[tilespmem:s21], [sflag:$0x1] =	stream.strided.gather [hbm4b:s26+s16], $0x2000, s17, s16, $0x38  }
0x6a: {  	_ =	swait.ge [sflag:s22], $0x2000  }
0x6b: {  	[sflag:s22] =	ssyncset.done $0x0  }
0x6c: {  	[sflag:s22] =	ssyncadd.s32 $0xFFFFE000  }
0x6d: {  	v34 =	vld.idx.msk [tilespmem:v10+s23+$0x0], $0xffff;
	_ =	sdelay $0x4  }
0x6e: {  	v35 =	vadd.s32 v0, v34  }
0x6f: {  	v36 =	vadd.s32 v4, v34  }
0x70: {  	v37 =	vadd.s32 v5, v34  }
0x71: {  	v34 =	vadd.s32 v6, v34  }
0x72: {  	v38 =	vld.idx.msk [tilespmem:v10+s24+$0x0], $0xffff  }
0x73: {  	v35 =	vld.idx.msk [tilespmem:v35+s18+$0x0], $0xffff  }
0x74: {  	v36 =	vld.idx.msk [tilespmem:v36+s18+$0x0], $0xffff  }
0x75: {  	v37 =	vld.idx.msk [tilespmem:v37+s18+$0x0], $0xffff  }
0x76: {  	v34 =	vld.idx.msk [tilespmem:v34+s18+$0x0], $0xffff;
	_ =	swait.ge [sflag:s22], $0x2000  }
0x77: {  	[sflag:s22] =	ssyncset.done $0x0  }
0x78: {  	[sflag:s22] =	ssyncadd.s32 $0xFFFFE000  }
0x79: {  	v39 =	vld.idx.msk [tilespmem:v11+s23+$0x0], $0xffff;
	_ =	sdelay $0x4  }
0x7a: {  	v40 =	vadd.s32 v0, v39  }
0x7b: {  	v41 =	vadd.s32 v4, v39  }
0x7c: {  	v42 =	vadd.s32 v5, v39  }
0x7d: {  	v39 =	vadd.s32 v6, v39  }
0x7e: {  	v43 =	vld.idx.msk [tilespmem:v11+s24+$0x0], $0xffff  }
0x7f: {  	v40 =	vld.idx.msk [tilespmem:v40+s19+$0x0], $0xffff  }
0x80: {  	v41 =	vld.idx.msk [tilespmem:v41+s19+$0x0], $0xffff  }
0x81: {  	v42 =	vld.idx.msk [tilespmem:v42+s19+$0x0], $0xffff  }
0x82: {  	v39 =	vld.idx.msk [tilespmem:v39+s19+$0x0], $0xffff;
	_ =	swait.ge [sflag:s22], $0x2000  }
0x83: {  	[sflag:s22] =	ssyncset.done $0x0  }
0x84: {  	[sflag:s22] =	ssyncadd.s32 $0xFFFFE000  }
0x85: {  	v44 =	vld.idx.msk [tilespmem:v12+s23+$0x0], $0xffff;
	_ =	sdelay $0x4  }
0x86: {  	v45 =	vadd.s32 v0, v44  }
0x87: {  	v46 =	vadd.s32 v4, v44  }
0x88: {  	v15 =	vadd.f32 $0.0e+00, v15;
	v47 =	vadd.s32 v5, v44  }
0x89: {  	vm0 =	veq.s32 v19, $0x0;
	vm1 =	veq.s32 v24, $0x0;
	v56 =	vadd.s32 v6, v44  }
0x8a: {  	v15 =	vnsel vm0, $0x0, v15;
	v20 =	vnsel vm1, $0x0, v20;
	v57 =	vld.idx.msk [tilespmem:v12+s24+$0x0], $0xffff  }
0x8b: {  	v15 =	vadd.f32 v20, v15;
	vm2 =	veq.s32 v29, $0x0;
	v20 =	vld.idx.msk [tilespmem:v45+s20+$0x0], $0xffff  }
0x8c: {  	v25 =	vnsel vm2, $0x0, v25;
	v29 =	vld.idx.msk [tilespmem:v46+s20+$0x0], $0xffff  }
0x8d: {  	v18 =	vadd.f32 $0.0e+00, v18;
	v15 =	vadd.f32 v25, v15;
	vm3 =	veq.s32 v33, $0x0;
	v25 =	vld.idx.msk [tilespmem:v47+s20+$0x0], $0xffff  }
0x8e: {  	v16 =	vadd.f32 $0.0e+00, v16;
	v14 =	vnsel vm3, $0x0, v14;
	v19 =	vld.idx.msk [tilespmem:v56+s20+$0x0], $0xffff;
	_ =	swait.ge [sflag:s22], $0x2000  }
0x8f: {  	v58 =	vnsel vm0, $0x0, v18;
	v14 =	vadd.f32 v14, v15;
	v15 =	vadd.f32 $0.0e+00, v17;
	[sflag:s22] =	ssyncset.done $0x0  }
0x90: {  	v16 =	vnsel vm0, $0x0, v16;
	v59 =	vnsel vm1, $0x0, v23;
	v60 =	vnsel vm1, $0x0, v22;
	[sflag:s22] =	ssyncadd.s32 $0xFFFFE000  }
0x91: {  	v61 =	vnsel vm1, $0x0, v21;
	v17 =	vadd.f32 v59, v58;
	v15 =	vnsel vm0, $0x0, v15;
	v62 =	vld.idx.msk [tilespmem:v13+s23+$0x0], $0xffff  }
0x92: {  	v16 =	vadd.f32 v61, v16;
	v63 =	vnsel vm2, $0x0, v28;
	v15 =	vadd.f32 v60, v15  }
0x93: {  	v27 =	vnsel vm2, $0x0, v27;
	v28 =	vnsel vm2, $0x0, v26;
	v17 =	vadd.f32 v63, v17  }
0x94: {  	v16 =	vadd.f32 v28, v16;
	v32 =	vnsel vm3, $0x0, v32;
	v15 =	vadd.f32 v27, v15  }
0x95: {  	v33 =	vnsel vm3, $0x0, v31;
	v17 =	vadd.f32 v32, v17;
	vm12 =	veq.s32 v38, $0x0  }
0x96: {  	v15 =	vadd.f32 v33, v15;
	v50 =	vnsel vm12, $0x0, v37;
	v45 =	vadd.s32 v0, v62  }
0x97: {  	v51 =	vnsel vm12, $0x0, v34;
	v17 =	vadd.f32 v50, v17;
	v48 =	vadd.s32 v4, v62  }
0x98: {  	v14 =	vadd.f32 v51, v14;
	v44 =	vnsel vm3, $0x0, v30;
	v49 =	vadd.s32 v5, v62  }
0x99: {  	vm13 =	veq.s32 v43, $0x0;
	v16 =	vadd.f32 v44, v16;
	v21 =	vadd.s32 v6, v62  }
0x9a: {  	v52 =	vnsel vm13, $0x0, v40;
	v55 =	vnsel vm13, $0x0, v42;
	v46 =	vnsel vm12, $0x0, v35;
	v53 =	vld.idx.msk [tilespmem:v13+s24+$0x0], $0xffff  }
0x9b: {  	v17 =	vadd.f32 v55, v17;
	v47 =	vnsel vm12, $0x0, v36;
	v16 =	vadd.f32 v46, v16;
	v18 =	vld.idx.msk [tilespmem:v45+s21+$0x0], $0xffff  }
0x9c: {  	vm14 =	veq.s32 v57, $0x0;
	v57 =	vnsel vm13, $0x0, v39;
	v15 =	vadd.f32 v47, v15;
	v56 =	vld.idx.msk [tilespmem:v48+s21+$0x0], $0xffff  }
0x9d: {  	v54 =	vnsel vm13, $0x0, v41;
	v14 =	vadd.f32 v57, v14;
	v16 =	vadd.f32 v52, v16;
	v22 =	vld.idx.msk [tilespmem:v49+s21+$0x0], $0xffff  }
0x9e: {  	v15 =	vadd.f32 v54, v15;
	v20 =	vnsel vm14, $0x0, v20;
	v59 =	vnsel vm14, $0x0, v29;
	v58 =	vld.idx.msk [tilespmem:v21+s21+$0x0], $0xffff  }
0x9f: {  	v60 =	vnsel vm14, $0x0, v25;
	v16 =	vadd.f32 v20, v16;
	vm15 =	veq.s32 v53, $0x0  }
0xa0: {  	v19 =	vnsel vm14, $0x0, v19;
	v15 =	vadd.f32 v59, v15;
	v18 =	vnsel vm15, $0x0, v18  }
0xa1: {  	v17 =	vadd.f32 v60, v17;
	v61 =	vnsel vm15, $0x0, v56;
	v16 =	vadd.f32 v18, v16  }
0xa2: {  	v14 =	vadd.f32 v19, v14;
	v62 =	vnsel vm15, $0x0, v22;
	v15 =	vadd.f32 v61, v15  }
0xa3: {  	v63 =	vnsel vm15, $0x0, v58;
	v17 =	vadd.f32 v62, v17;
	[tilespmem:$0x8180] =	vst v16  }
0xa4: {  	v14 =	vadd.f32 v63, v14;
	[tilespmem:$0x8190] =	vst v15  }
0xa5: {  	[tilespmem:$0x81A0] =	vst v17  }
0xa6: {  	s26 =	smov.u32 s11;
	[tilespmem:$0x81B0] =	vst v14  }
.LBB2_5:
0xa7: {  	[hbm4b:s26+s4] =	stream.linear.scatter [tilespmem:s25], [sflag:$0x2], $0x80, $0x38;
	[tilespmem:$0x8200] =	vst v63  }
0xa8: {  	_ =	swait.ge [sflag:s13], $0x80  }
0xa9: {  	[sflag:s13] =	ssyncset.done $0x0  }
0xaa: {  	[sflag:s13] =	ssyncadd.s32 $0xFFFFFF80  }
.LBB2_6:
0xab: {  	s12 =	sadd.s32 $0xFFFFFFFF, s12  }
0xac: {  	p6 =	sne.s32 s12, $0x0  }
.Ltmp1:
0xad: {  	_ = 	snop;
	(pc) =	sbr.rel @!p6 .LBB2_7-.Ltmp1, $1  }
0xae: {  	_ =	sdelay $0x3  }
.LBB2_1:
.Ltmp2:
0xaf: {  	(pc) =	sbr.rel @!p0 .LBB2_2-.Ltmp2, $1  }
0xb0: {  	_ =	sdelay $0x3  }
0xb1: {  	s26 =	simm.s32 @!p1 $0x0;
	s28 =	simm.s32 @!p1 $0x2  }
0xb2: {  	[tilespmem:s26], [sflag:$0x2] =	stream.linear.gather @!p1 [hbm4b:s6+s26], $0x10, $0x38;
	[tilespmem:$0x8200] =	vst v63  }
0xb3: {  	_ =	swait.ge @!p1 [sflag:s28], $0x10  }
0xb4: {  	[sflag:s28] =	ssyncset.done @!p1 $0x0  }
0xb5: {  	s29 =	simm.s32 @!p1 $0x90;
	[sflag:s28] =	ssyncadd.s32 @!p1 $0xFFFFFFF0  }
0xb6: {  	[tilespmem:s29], [sflag:$0x2] =	stream.linear.gather @!p1 [hbm4b:s7+s26], $0x10, $0x38;
	[tilespmem:$0x8200] =	vst v63  }
0xb7: {  	_ =	swait.ge @!p1 [sflag:s28], $0x10  }
0xb8: {  	[sflag:s28] =	ssyncset.done @!p1 $0x0  }
0xb9: {  	[sflag:s28] =	ssyncadd.s32 @!p1 $0xFFFFFFF0  }
0xba: {  	v14 =	vld @!p1 [tilespmem:$0x0];
	_ =	sdelay $0x4  }
0xbb: {  	s26 =	simm.s32 @!p1 $0x80;
	[tilespmem:$0x80] =	vst @!p1 v14  }
0xbc: {  	v14 =	vld.idx.msk @!p1 [tilespmem:v1+s26+$0x0], $0xffff;
	_ =	sdelay $0x4  }
0xbd: {  	(v2sf) =	vpush @!p1 v14, $0x0;
	_ =	sdelay $0xe  }
0xbe: {  	v14 =	vld.idx.msk @!p1 [tilespmem:v2+s26+$0x0], $0xffff;
	s29 =	spop @!p1 (v2sf)  }
0xbf: {  	s30 =	simm.s32 @!p2 $0x400;
	s26 =	sand.u32 @!p1 $0xFFFFF80, s29  }
0xc0: {  	s31 =	simm.s32 @!p2 $0x7A1400;
	s0 =	simm.s32 @!p2 $0x180;
	v15 =	vlaneseq.u32 @!p1;
	s29 =	sadd.s32 @!p2 s2, s26  }
0xc1: {  	v15 =	vmul.u32 @!p1 $0x80, v15;
	[tilespmem:s0], [sflag:$0x2] =	stream.strided.gather @!p2 [hbm4b:s29+s30], $0x2000, s31, s30, $0x38;
	[tilespmem:$0x8200] =	vst v63  }
0xc2: {  	s0 =	sadd.s32 @!p3 s1, s26  }
0xc3: {  	v17 =	vor.u32 @!p1 $0x800, v15;
	v16 =	vadd.s32 @!p1 v15, v14;
	s26 =	simm.s32 @!p3 $0x400;
	s29 =	simm.s32 @!p3 $0xC3800;
	s30 =	simm.s32 @!p3 $0x180  }
0xc4: {  	v18 =	vor.u32 @!p1 $0x1000, v15;
	v17 =	vadd.s32 @!p1 v17, v14;
	[tilespmem:s30], [sflag:$0x2] =	stream.strided.gather @!p3 [hbm4b:s0+s26], $0x2000, s29, s26, $0x38;
	[tilespmem:$0x8200] =	vst v63  }
0xc5: {  	v18 =	vadd.s32 @!p1 v18, v14;
	v15 =	vor.u32 @!p1 $0x1800, v15;
	_ =	swait.ge @!p1 [sflag:s28], $0x2000  }
0xc6: {  	v14 =	vadd.s32 @!p1 v15, v14;
	[sflag:s28] =	ssyncset.done @!p1 $0x0  }
0xc7: {  	s0 =	simm.s32 @!p1 $0x180;
	[sflag:s28] =	ssyncadd.s32 @!p1 $0xFFFFE000  }
0xc8: {  	v15 =	vld.idx.msk @!p1 [tilespmem:v16+s0+$0x0], $0xffff  }
0xc9: {  	v16 =	vld.idx.msk @!p1 [tilespmem:v17+s0+$0x0], $0xffff  }
0xca: {  	v17 =	vld.idx.msk @!p1 [tilespmem:v18+s0+$0x0], $0xffff  }
0xcb: {  	v14 =	vld.idx.msk @!p1 [tilespmem:v14+s0+$0x0], $0xffff  }
.Ltmp3:
0xcc: {  	_ = 	snop;
	(pc) =	sbr.rel @p5 .LBB2_6-.Ltmp3, $4  }
0xcd: {  	[tilespmem:$0x8180] =	vst @!p1 v15  }
0xce: {  	[tilespmem:$0x8190] =	vst @!p1 v16  }
0xcf: {  	[tilespmem:$0x81A0] =	vst @!p1 v17  }
0xd0: {  	[tilespmem:$0x81B0] =	vst @!p1 v14  }
.Ltmp4:
0xd1: {  	(pc) =	sbr.rel .LBB2_5-.Ltmp4, $4  }
0xd2: {  	s0 =	simm.s32 @!p2 $0x1B0  }
0xd3: {  	s0 =	simm.s32 @p2 $0x1A0  }
0xd4: {  	s0 =	simm.s32 @p4 $0x1C0  }
0xd5: {  	s26 =	sadd.s32 @!p1 s0, s5  }
.LBB2_7:
0xd6: {  	_ =	sfence.sel $0x180000  }
0xd7: {  	[bflag:$0x0] =	sbarrier.arrive $0xFFFF  }
0xd8: {  	_ =	strace $0x90000047  }
0xd9: {  	[bflag:$0x2] =	sbarrier.arrive $0xFFFF  }
0xda: {  	p0 =	sne.s32 s3, $0x0;
	s0 =	rddreg [dreg:$0x3]  }
0xdb: {  	s0 =	sadd.s32 @!p0 $0x100000, s0  }
0xdc: {  	[sflag:s0] =	ssyncadd.tile.s32 @!p0 $0x1;
	_ =	shalt  }
.Lfunc_end2:
_tile_overlayer_lowered:
.L_overlay_start_2:
0xdd: {  	(tag) =	ssettag $0x2  }
0xde: {  	s0 =	rddreg [dreg:$0x0];
	s2 =	stileid.u32  }
0xdf: {  	s1 =	rddreg [dreg:$0x1];
	p0 =	sne.s32 s2, $0x0  }
0xe0: {  	s3 =	rddreg [dreg:$0x2];
	[bflag:$0x3] =	sbarrier.arrive $0xFFFF;
	s2 =	simm.s32 @!p0 $0x1C02  }
0xe1: {  	[timem:s3], [sflag:s2] =	dma.local @!p0 [hbm:s0], s1  }
0xe2: {  	s0 =	simm.s32 @!p0 $0x2  }
0xe3: {  	_ =	swait.ge @!p0 [sflag:s0], s1  }
0xe4: {  	s1 =	ssub.s32 @!p0 $0x0, s1;
	[sflag:s0] =	ssyncset.done @!p0 $0x0  }
0xe5: {  	[sflag:s0] =	ssyncadd.s32 @!p0 s1  }
0xe6: {  	[bflag:$0x3] =	sbarrier.arrive $0xFFFF  }
0xe7: {  	_ =	shalt  }

</sc_bundles>
